<compile_context>
chip_gen: v7x
topology: tpu7x:2x2x1
jax: 0.10.2.dev20260603
libtpu: 0.0.44.dev20260713+nightly
codegen_flags: <defaults>
</compile_context>

<pallas_src>
import functools

import jax
import jax.numpy as jnp
from jax import lax
from jax.experimental import pallas as pl
from jax.experimental.pallas import tpu as pltpu
from jax.experimental.pallas import tpu_sc as plsc

_INFO = plsc.get_sparse_core_info()
_NC = _INFO.num_cores
_NS = _INFO.num_subcores
_NW = _NC * _NS

_CHUNK = 128
_DPAD = 128
_NBUF = 5


def _make_gather(n_chunks: int, d: int):
    mesh = plsc.VectorSubcoreMesh(core_axis_name="c", subcore_axis_name="s")
    b_per_w = n_chunks * _CHUNK
    total = _NW * b_per_w
    n_grp = n_chunks // _NBUF

    @functools.partial(
        pl.kernel,
        mesh=mesh,
        out_type=jax.ShapeDtypeStruct((total, _DPAD), jnp.float32),
        scratch_types=[
            pltpu.VMEM((n_chunks, _CHUNK), jnp.int32),
            [pltpu.VMEM((_CHUNK, _DPAD), jnp.float32) for _ in range(_NBUF)],
            [pltpu.SemaphoreType.DMA for _ in range(_NBUF)],
            [pltpu.SemaphoreType.DMA for _ in range(_NBUF)],
        ],
    )
    def gather_kernel(idx_hbm, table_hbm, out_hbm, idx_v, rows, gsems, ssems):
        wid = lax.axis_index("s") * _NC + lax.axis_index("c")
        pltpu.sync_copy(idx_hbm.at[wid], idx_v)
        base = wid * b_per_w

        def body(k, carry):
            c0 = k * _NBUF

            gathers = []
            for i in range(_NBUF):
                @pl.when(k > 0)
                def _drain_prev(i=i):
                    pltpu.make_async_copy(
                        rows[i], out_hbm.at[pl.ds(base, _CHUNK)], ssems[i]
                    ).wait()

                gathers.append(pltpu.async_copy(
                    table_hbm.at[idx_v.at[c0 + i]], rows[i], gsems[i]
                ))
            for i in range(_NBUF):
                gathers[i].wait()
                pltpu.async_copy(
                    rows[i],
                    out_hbm.at[pl.ds(base + (c0 + i) * _CHUNK, _CHUNK)],
                    ssems[i],
                )
            return carry

        lax.fori_loop(0, n_grp, body, 0)
        for i in range(_NBUF):
            pltpu.make_async_copy(
                rows[i], out_hbm.at[pl.ds(base, _CHUNK)], ssems[i]
            ).wait()

    return gather_kernel


def kernel(x, table):
    b = x.shape[0] * x.shape[1]
    d = table.shape[1]
    n_chunks = b // (_NW * _CHUNK)
    idx = jnp.reshape(x.astype(jnp.int32), (_NW, n_chunks, _CHUNK))
    tpad = jnp.pad(table, ((0, 0), (0, _DPAD - d)))
    out = _make_gather(n_chunks, d)(idx, tpad)
    return jnp.reshape(out[:, :d], (x.shape[0], x.shape[1], d))

# --- scband reference (transcript-rebuilt; emitter-appended) ---
"""Pipeline reference for scband-glove-embedding-8254927143406 (READ-ONLY COPY).

The authoritative reference and input builder live on the scoring server;
editing this copy changes nothing except your own understanding.
"""

import jax, jax.numpy as jnp
import numpy as np

VOCAB = 100000
DIM = 100
PAD_IDX = 0


def setup_inputs(seed: int = 0) -> dict:
    key = jax.random.key(seed)
    k1, k2 = jax.random.split(key)
    x = jax.random.randint(k1, (4096, 200), 0, VOCAB)
    # Emulate GloVe-initialized table: pretrained vectors / uniform(-0.25, 0.25) for OOV,
    # zeros at padding_idx.
    table = jax.random.uniform(k2, (VOCAB, DIM), dtype=jnp.float32, minval=-0.25, maxval=0.25)
    table = table.at[PAD_IDX].set(0.0)
    return {"x": x, "table": table}


def reference(x, table):
    # GloveEmbedding.forward: self.embedding(x) -> row gather from pretrained table
    return jnp.take(table, x, axis=0)

if __name__ == "__main__":
    import jax
    _d = setup_inputs()
    print(jax.jit(kernel)(*tuple(_d.values())))

</pallas_src>

<mosaic_0001>
#map = affine_map<(d0, d1) -> (0, 0, 0)>
#map1 = affine_map<(d0, d1) -> (0, 0)>
module attributes {stable_mosaic.version = 14 : i64} {
  func.func @gather_kernel(%arg0: i32, %arg1: i32, %arg2: memref<32x200x128xi32, #tpu.memory_space<hbm>>, %arg3: memref<100000x128xf32, #tpu.memory_space<hbm>>, %arg4: memref<819200x128xf32, #tpu.memory_space<hbm>>, %arg5: memref<200x128xi32, #tpu.memory_space<vmem>>, %arg6: memref<128x128xf32, #tpu.memory_space<vmem>>, %arg7: memref<128x128xf32, #tpu.memory_space<vmem>>, %arg8: memref<128x128xf32, #tpu.memory_space<vmem>>, %arg9: memref<128x128xf32, #tpu.memory_space<vmem>>, %arg10: memref<128x128xf32, #tpu.memory_space<vmem>>, %arg11: memref<!tpu.dma_semaphore, #tpu.memory_space<semaphore_mem>>, %arg12: memref<!tpu.dma_semaphore, #tpu.memory_space<semaphore_mem>>, %arg13: memref<!tpu.dma_semaphore, #tpu.memory_space<semaphore_mem>>, %arg14: memref<!tpu.dma_semaphore, #tpu.memory_space<semaphore_mem>>, %arg15: memref<!tpu.dma_semaphore, #tpu.memory_space<semaphore_mem>>, %arg16: memref<!tpu.dma_semaphore, #tpu.memory_space<semaphore_mem>>, %arg17: memref<!tpu.dma_semaphore, #tpu.memory_space<semaphore_mem>>, %arg18: memref<!tpu.dma_semaphore, #tpu.memory_space<semaphore_mem>>, %arg19: memref<!tpu.dma_semaphore, #tpu.memory_space<semaphore_mem>>, %arg20: memref<!tpu.dma_semaphore, #tpu.memory_space<semaphore_mem>>) attributes {dimension_semantics = [#tpu.dimension_semantics<core_parallel>, #tpu.dimension_semantics<subcore_parallel>], iteration_bounds = array<i64: 2, 16>, scalar_prefetch = 0 : i64, scratch_operands = 16 : i64, tpu.core_type = #tpu.core_type<sc_vector_subcore>, window_params = [{transform_indices = #map}, {transform_indices = #map1}, {transform_indices = #map1}]} {
    %mul3A = arith.constant 2 : i32
    %mul3A_0 = arith.muli %arg1, %mul3A : i32
    %add3A = arith.addi %mul3A_0, %arg0 : i32
    "tpu.region"() ({
      %run_scoped3A = tpu.sem_alloc : memref<!tpu.dma_semaphore, #tpu.memory_space<semaphore_mem>>
      %dma_start3A = arith.constant 0 : i32
      %dma_start3A_27 = arith.constant 0 : i32
      %dma_start3A_28 = tpu.memref_slice %arg2[%add3A, %dma_start3A, %dma_start3A_27] : memref<32x200x128xi32, #tpu.memory_space<hbm>> -> memref<1x200x128xi32, #tpu.memory_space<hbm>>
      %dma_start3A_29 = tpu.memref_squeeze %dma_start3A_28 : memref<1x200x128xi32, #tpu.memory_space<hbm>> -> memref<200x128xi32, #tpu.memory_space<hbm>>
      %dma_start3A_30 = arith.constant 0 : i32
      %dma_start3A_31 = arith.constant 0 : i32
      %dma_start3A_32 = tpu.memref_slice %arg2[%add3A, %dma_start3A_30, %dma_start3A_31] : memref<32x200x128xi32, #tpu.memory_space<hbm>> -> memref<1x200x128xi32, #tpu.memory_space<hbm>>
      %dma_start3A_33 = tpu.memref_squeeze %dma_start3A_32 : memref<1x200x128xi32, #tpu.memory_space<hbm>> -> memref<200x128xi32, #tpu.memory_space<hbm>>
      tpu.enqueue_dma source(%dma_start3A_33 : memref<200x128xi32, #tpu.memory_space<hbm>>) target(%arg5 : memref<200x128xi32, #tpu.memory_space<vmem>>) target_semaphore(%run_scoped3A : memref<!tpu.dma_semaphore, #tpu.memory_space<semaphore_mem>>)
      %dma_wait3A_34 = arith.constant 0 : i32
      %dma_wait3A_35 = arith.constant 0 : i32
      %dma_wait3A_36 = tpu.memref_slice %arg2[%add3A, %dma_wait3A_34, %dma_wait3A_35] : memref<32x200x128xi32, #tpu.memory_space<hbm>> -> memref<1x200x128xi32, #tpu.memory_space<hbm>>
      %dma_wait3A_37 = tpu.memref_squeeze %dma_wait3A_36 : memref<1x200x128xi32, #tpu.memory_space<hbm>> -> memref<200x128xi32, #tpu.memory_space<hbm>>
      %dma_wait3A_38 = arith.constant 0 : i32
      %dma_wait3A_39 = arith.constant 0 : i32
      %dma_wait3A_40 = tpu.memref_slice %arg2[%add3A, %dma_wait3A_38, %dma_wait3A_39] : memref<32x200x128xi32, #tpu.memory_space<hbm>> -> memref<1x200x128xi32, #tpu.memory_space<hbm>>
      %dma_wait3A_41 = tpu.memref_squeeze %dma_wait3A_40 : memref<1x200x128xi32, #tpu.memory_space<hbm>> -> memref<200x128xi32, #tpu.memory_space<hbm>>
      tpu.wait_dma2 semaphore(%run_scoped3A : memref<!tpu.dma_semaphore, #tpu.memory_space<semaphore_mem>>) src(%dma_wait3A_41 : memref<200x128xi32, #tpu.memory_space<hbm>>) dst(%arg5 : memref<200x128xi32, #tpu.memory_space<vmem>>)
      tpu.yield
    }) : () -> ()
    %mul3A_1 = arith.constant 25600 : i32
    %mul3A_2 = arith.muli %add3A, %mul3A_1 : i32
    %scan3A = arith.constant 0 : i32
    %scan3A_3 = arith.constant 0 : i32
    %scan3A_4 = arith.constant 40 : i32
    %scan3A_5 = arith.addi %scan3A_3, %scan3A_4 : i32
    %scan3A_6 = arith.constant 1 : i32
    scf.for %scan3A_27 = %scan3A_3 to %scan3A_5 step %scan3A_6  : i32 {
      %mul3A_28 = arith.constant 5 : i32
      %mul3A_29 = arith.muli %scan3A_27, %mul3A_28 : i32
      %gt3A = arith.constant 0 : i32
      %gt3A_30 = arith.cmpi sgt, %scan3A_27, %gt3A : i32
      %convert_element_type3A = arith.extui %gt3A_30 : i1 to i32
      %cond3A = arith.constant 0 : i32
      %cond3A_31 = arith.cmpi ne, %convert_element_type3A, %cond3A : i32
      scf.if %cond3A_31 {
        %dma_wait3A_166 = arith.constant 0 : i32
        %dma_wait3A_167 = tpu.memref_slice %arg4[%mul3A_2, %dma_wait3A_166] : memref<819200x128xf32, #tpu.memory_space<hbm>> -> memref<128x128xf32, #tpu.memory_space<hbm>>
        %dma_wait3A_168 = arith.constant 0 : i32
        %dma_wait3A_169 = tpu.memref_slice %arg4[%mul3A_2, %dma_wait3A_168] : memref<819200x128xf32, #tpu.memory_space<hbm>> -> memref<128x128xf32, #tpu.memory_space<hbm>>
        tpu.wait_dma2 semaphore(%arg16 : memref<!tpu.dma_semaphore, #tpu.memory_space<semaphore_mem>>) src(%arg6 : memref<128x128xf32, #tpu.memory_space<vmem>>) dst(%dma_wait3A_169 : memref<128x128xf32, #tpu.memory_space<hbm>>)
      } else {
      }
      %add3A_32 = arith.constant 0 : i32
      %add3A_33 = arith.addi %mul3A_29, %add3A_32 : i32
      %dma_start3A = arith.constant 0 : i32
      %dma_start3A_34 = tpu.memref_slice %arg5[%add3A_33, %dma_start3A] : memref<200x128xi32, #tpu.memory_space<vmem>> -> memref<1x128xi32, #tpu.memory_space<vmem>>
      %dma_start3A_35 = tpu.memref_squeeze %dma_start3A_34 : memref<1x128xi32, #tpu.memory_space<vmem>> -> memref<128xi32, #tpu.memory_space<vmem>>
      %dma_start3A_36 = arith.constant 0 : i32
      %dma_start3A_37 = arith.constant 0 : i32
      %dma_start3A_38 = tpu.memref_slice %arg3[%dma_start3A_36, %dma_start3A_37] : memref<100000x128xf32, #tpu.memory_space<hbm>> -> memref<100000x128xf32, #tpu.memory_space<hbm>>
      tpu.enqueue_indirect_dma source(%dma_start3A_38 : memref<100000x128xf32, #tpu.memory_space<hbm>>) target(%arg6 : memref<128x128xf32, #tpu.memory_space<vmem>>) offsets(%dma_start3A_35 : memref<128xi32, #tpu.memory_space<vmem>>) semaphore(%arg11 : memref<!tpu.dma_semaphore, #tpu.memory_space<semaphore_mem>>)
      %gt3A_39 = arith.constant 0 : i32
      %gt3A_40 = arith.cmpi sgt, %scan3A_27, %gt3A_39 : i32
      %convert_element_type3A_41 = arith.extui %gt3A_40 : i1 to i32
      %cond3A_42 = arith.constant 0 : i32
      %cond3A_43 = arith.cmpi ne, %convert_element_type3A_41, %cond3A_42 : i32
      scf.if %cond3A_43 {
        %dma_wait3A_166 = arith.constant 0 : i32
        %dma_wait3A_167 = tpu.memref_slice %arg4[%mul3A_2, %dma_wait3A_166] : memref<819200x128xf32, #tpu.memory_space<hbm>> -> memref<128x128xf32, #tpu.memory_space<hbm>>
        %dma_wait3A_168 = arith.constant 0 : i32
        %dma_wait3A_169 = tpu.memref_slice %arg4[%mul3A_2, %dma_wait3A_168] : memref<819200x128xf32, #tpu.memory_space<hbm>> -> memref<128x128xf32, #tpu.memory_space<hbm>>
        tpu.wait_dma2 semaphore(%arg17 : memref<!tpu.dma_semaphore, #tpu.memory_space<semaphore_mem>>) src(%arg7 : memref<128x128xf32, #tpu.memory_space<vmem>>) dst(%dma_wait3A_169 : memref<128x128xf32, #tpu.memory_space<hbm>>)
      } else {
      }
      %add3A_44 = arith.constant 1 : i32
      %add3A_45 = arith.addi %mul3A_29, %add3A_44 : i32
      %dma_start3A_46 = arith.constant 0 : i32
      %dma_start3A_47 = tpu.memref_slice %arg5[%add3A_45, %dma_start3A_46] : memref<200x128xi32, #tpu.memory_space<vmem>> -> memref<1x128xi32, #tpu.memory_space<vmem>>
      %dma_start3A_48 = tpu.memref_squeeze %dma_start3A_47 : memref<1x128xi32, #tpu.memory_space<vmem>> -> memref<128xi32, #tpu.memory_space<vmem>>
      %dma_start3A_49 = arith.constant 0 : i32
      %dma_start3A_50 = arith.constant 0 : i32
      %dma_start3A_51 = tpu.memref_slice %arg3[%dma_start3A_49, %dma_start3A_50] : memref<100000x128xf32, #tpu.memory_space<hbm>> -> memref<100000x128xf32, #tpu.memory_space<hbm>>
      tpu.enqueue_indirect_dma source(%dma_start3A_51 : memref<100000x128xf32, #tpu.memory_space<hbm>>) target(%arg7 : memref<128x128xf32, #tpu.memory_space<vmem>>) offsets(%dma_start3A_48 : memref<128xi32, #tpu.memory_space<vmem>>) semaphore(%arg12 : memref<!tpu.dma_semaphore, #tpu.memory_space<semaphore_mem>>)
      %gt3A_52 = arith.constant 0 : i32
      %gt3A_53 = arith.cmpi sgt, %scan3A_27, %gt3A_52 : i32
      %convert_element_type3A_54 = arith.extui %gt3A_53 : i1 to i32
      %cond3A_55 = arith.constant 0 : i32
      %cond3A_56 = arith.cmpi ne, %convert_element_type3A_54, %cond3A_55 : i32
      scf.if %cond3A_56 {
        %dma_wait3A_166 = arith.constant 0 : i32
        %dma_wait3A_167 = tpu.memref_slice %arg4[%mul3A_2, %dma_wait3A_166] : memref<819200x128xf32, #tpu.memory_space<hbm>> -> memref<128x128xf32, #tpu.memory_space<hbm>>
        %dma_wait3A_168 = arith.constant 0 : i32
        %dma_wait3A_169 = tpu.memref_slice %arg4[%mul3A_2, %dma_wait3A_168] : memref<819200x128xf32, #tpu.memory_space<hbm>> -> memref<128x128xf32, #tpu.memory_space<hbm>>
        tpu.wait_dma2 semaphore(%arg18 : memref<!tpu.dma_semaphore, #tpu.memory_space<semaphore_mem>>) src(%arg8 : memref<128x128xf32, #tpu.memory_space<vmem>>) dst(%dma_wait3A_169 : memref<128x128xf32, #tpu.memory_space<hbm>>)
      } else {
      }
      %add3A_57 = arith.constant 2 : i32
      %add3A_58 = arith.addi %mul3A_29, %add3A_57 : i32
      %dma_start3A_59 = arith.constant 0 : i32
      %dma_start3A_60 = tpu.memref_slice %arg5[%add3A_58, %dma_start3A_59] : memref<200x128xi32, #tpu.memory_space<vmem>> -> memref<1x128xi32, #tpu.memory_space<vmem>>
      %dma_start3A_61 = tpu.memref_squeeze %dma_start3A_60 : memref<1x128xi32, #tpu.memory_space<vmem>> -> memref<128xi32, #tpu.memory_space<vmem>>
      %dma_start3A_62 = arith.constant 0 : i32
      %dma_start3A_63 = arith.constant 0 : i32
      %dma_start3A_64 = tpu.memref_slice %arg3[%dma_start3A_62, %dma_start3A_63] : memref<100000x128xf32, #tpu.memory_space<hbm>> -> memref<100000x128xf32, #tpu.memory_space<hbm>>
      tpu.enqueue_indirect_dma source(%dma_start3A_64 : memref<100000x128xf32, #tpu.memory_space<hbm>>) target(%arg8 : memref<128x128xf32, #tpu.memory_space<vmem>>) offsets(%dma_start3A_61 : memref<128xi32, #tpu.memory_space<vmem>>) semaphore(%arg13 : memref<!tpu.dma_semaphore, #tpu.memory_space<semaphore_mem>>)
      %gt3A_65 = arith.constant 0 : i32
      %gt3A_66 = arith.cmpi sgt, %scan3A_27, %gt3A_65 : i32
      %convert_element_type3A_67 = arith.extui %gt3A_66 : i1 to i32
      %cond3A_68 = arith.constant 0 : i32
      %cond3A_69 = arith.cmpi ne, %convert_element_type3A_67, %cond3A_68 : i32
      scf.if %cond3A_69 {
        %dma_wait3A_166 = arith.constant 0 : i32
        %dma_wait3A_167 = tpu.memref_slice %arg4[%mul3A_2, %dma_wait3A_166] : memref<819200x128xf32, #tpu.memory_space<hbm>> -> memref<128x128xf32, #tpu.memory_space<hbm>>
        %dma_wait3A_168 = arith.constant 0 : i32
        %dma_wait3A_169 = tpu.memref_slice %arg4[%mul3A_2, %dma_wait3A_168] : memref<819200x128xf32, #tpu.memory_space<hbm>> -> memref<128x128xf32, #tpu.memory_space<hbm>>
        tpu.wait_dma2 semaphore(%arg19 : memref<!tpu.dma_semaphore, #tpu.memory_space<semaphore_mem>>) src(%arg9 : memref<128x128xf32, #tpu.memory_space<vmem>>) dst(%dma_wait3A_169 : memref<128x128xf32, #tpu.memory_space<hbm>>)
      } else {
      }
      %add3A_70 = arith.constant 3 : i32
      %add3A_71 = arith.addi %mul3A_29, %add3A_70 : i32
      %dma_start3A_72 = arith.constant 0 : i32
      %dma_start3A_73 = tpu.memref_slice %arg5[%add3A_71, %dma_start3A_72] : memref<200x128xi32, #tpu.memory_space<vmem>> -> memref<1x128xi32, #tpu.memory_space<vmem>>
      %dma_start3A_74 = tpu.memref_squeeze %dma_start3A_73 : memref<1x128xi32, #tpu.memory_space<vmem>> -> memref<128xi32, #tpu.memory_space<vmem>>
      %dma_start3A_75 = arith.constant 0 : i32
      %dma_start3A_76 = arith.constant 0 : i32
      %dma_start3A_77 = tpu.memref_slice %arg3[%dma_start3A_75, %dma_start3A_76] : memref<100000x128xf32, #tpu.memory_space<hbm>> -> memref<100000x128xf32, #tpu.memory_space<hbm>>
      tpu.enqueue_indirect_dma source(%dma_start3A_77 : memref<100000x128xf32, #tpu.memory_space<hbm>>) target(%arg9 : memref<128x128xf32, #tpu.memory_space<vmem>>) offsets(%dma_start3A_74 : memref<128xi32, #tpu.memory_space<vmem>>) semaphore(%arg14 : memref<!tpu.dma_semaphore, #tpu.memory_space<semaphore_mem>>)
      %gt3A_78 = arith.constant 0 : i32
      %gt3A_79 = arith.cmpi sgt, %scan3A_27, %gt3A_78 : i32
      %convert_element_type3A_80 = arith.extui %gt3A_79 : i1 to i32
      %cond3A_81 = arith.constant 0 : i32
      %cond3A_82 = arith.cmpi ne, %convert_element_type3A_80, %cond3A_81 : i32
      scf.if %cond3A_82 {
        %dma_wait3A_166 = arith.constant 0 : i32
        %dma_wait3A_167 = tpu.memref_slice %arg4[%mul3A_2, %dma_wait3A_166] : memref<819200x128xf32, #tpu.memory_space<hbm>> -> memref<128x128xf32, #tpu.memory_space<hbm>>
        %dma_wait3A_168 = arith.constant 0 : i32
        %dma_wait3A_169 = tpu.memref_slice %arg4[%mul3A_2, %dma_wait3A_168] : memref<819200x128xf32, #tpu.memory_space<hbm>> -> memref<128x128xf32, #tpu.memory_space<hbm>>
        tpu.wait_dma2 semaphore(%arg20 : memref<!tpu.dma_semaphore, #tpu.memory_space<semaphore_mem>>) src(%arg10 : memref<128x128xf32, #tpu.memory_space<vmem>>) dst(%dma_wait3A_169 : memref<128x128xf32, #tpu.memory_space<hbm>>)
      } else {
      }
      %add3A_83 = arith.constant 4 : i32
      %add3A_84 = arith.addi %mul3A_29, %add3A_83 : i32
      %dma_start3A_85 = arith.constant 0 : i32
      %dma_start3A_86 = tpu.memref_slice %arg5[%add3A_84, %dma_start3A_85] : memref<200x128xi32, #tpu.memory_space<vmem>> -> memref<1x128xi32, #tpu.memory_space<vmem>>
      %dma_start3A_87 = tpu.memref_squeeze %dma_start3A_86 : memref<1x128xi32, #tpu.memory_space<vmem>> -> memref<128xi32, #tpu.memory_space<vmem>>
      %dma_start3A_88 = arith.constant 0 : i32
      %dma_start3A_89 = arith.constant 0 : i32
      %dma_start3A_90 = tpu.memref_slice %arg3[%dma_start3A_88, %dma_start3A_89] : memref<100000x128xf32, #tpu.memory_space<hbm>> -> memref<100000x128xf32, #tpu.memory_space<hbm>>
      tpu.enqueue_indirect_dma source(%dma_start3A_90 : memref<100000x128xf32, #tpu.memory_space<hbm>>) target(%arg10 : memref<128x128xf32, #tpu.memory_space<vmem>>) offsets(%dma_start3A_87 : memref<128xi32, #tpu.memory_space<vmem>>) semaphore(%arg15 : memref<!tpu.dma_semaphore, #tpu.memory_space<semaphore_mem>>)
      %dma_wait3A_91 = arith.constant 0 : i32
      %dma_wait3A_92 = tpu.memref_slice %arg5[%add3A_33, %dma_wait3A_91] : memref<200x128xi32, #tpu.memory_space<vmem>> -> memref<1x128xi32, #tpu.memory_space<vmem>>
      %dma_wait3A_93 = tpu.memref_squeeze %dma_wait3A_92 : memref<1x128xi32, #tpu.memory_space<vmem>> -> memref<128xi32, #tpu.memory_space<vmem>>
      %dma_wait3A_94 = arith.constant 0 : i32
      %dma_wait3A_95 = arith.constant 0 : i32
      %dma_wait3A_96 = tpu.memref_slice %arg3[%dma_wait3A_94, %dma_wait3A_95] : memref<100000x128xf32, #tpu.memory_space<hbm>> -> memref<100000x128xf32, #tpu.memory_space<hbm>>
      tpu.wait_indirect_dma semaphore(%arg11 : memref<!tpu.dma_semaphore, #tpu.memory_space<semaphore_mem>>) src(%dma_wait3A_96 : memref<100000x128xf32, #tpu.memory_space<hbm>>) dst(%arg6 : memref<128x128xf32, #tpu.memory_space<vmem>>)
      %add3A_97 = arith.constant 0 : i32
      %add3A_98 = arith.addi %mul3A_29, %add3A_97 : i32
      %mul3A_99 = arith.constant 128 : i32
      %mul3A_100 = arith.muli %add3A_98, %mul3A_99 : i32
      %add3A_101 = arith.addi %mul3A_2, %mul3A_100 : i32
      %dma_start3A_102 = arith.constant 0 : i32
      %dma_start3A_103 = tpu.memref_slice %arg4[%add3A_101, %dma_start3A_102] : memref<819200x128xf32, #tpu.memory_space<hbm>> -> memref<128x128xf32, #tpu.memory_space<hbm>>
      %dma_start3A_104 = arith.constant 0 : i32
      %dma_start3A_105 = tpu.memref_slice %arg4[%add3A_101, %dma_start3A_104] : memref<819200x128xf32, #tpu.memory_space<hbm>> -> memref<128x128xf32, #tpu.memory_space<hbm>>
      tpu.enqueue_dma source(%arg6 : memref<128x128xf32, #tpu.memory_space<vmem>>) target(%dma_start3A_105 : memref<128x128xf32, #tpu.memory_space<hbm>>) target_semaphore(%arg16 : memref<!tpu.dma_semaphore, #tpu.memory_space<semaphore_mem>>)
      %dma_wait3A_106 = arith.constant 0 : i32
      %dma_wait3A_107 = tpu.memref_slice %arg5[%add3A_45, %dma_wait3A_106] : memref<200x128xi32, #tpu.memory_space<vmem>> -> memref<1x128xi32, #tpu.memory_space<vmem>>
      %dma_wait3A_108 = tpu.memref_squeeze %dma_wait3A_107 : memref<1x128xi32, #tpu.memory_space<vmem>> -> memref<128xi32, #tpu.memory_space<vmem>>
      %dma_wait3A_109 = arith.constant 0 : i32
      %dma_wait3A_110 = arith.constant 0 : i32
      %dma_wait3A_111 = tpu.memref_slice %arg3[%dma_wait3A_109, %dma_wait3A_110] : memref<100000x128xf32, #tpu.memory_space<hbm>> -> memref<100000x128xf32, #tpu.memory_space<hbm>>
      tpu.wait_indirect_dma semaphore(%arg12 : memref<!tpu.dma_semaphore, #tpu.memory_space<semaphore_mem>>) src(%dma_wait3A_111 : memref<100000x128xf32, #tpu.memory_space<hbm>>) dst(%arg7 : memref<128x128xf32, #tpu.memory_space<vmem>>)
      %add3A_112 = arith.constant 1 : i32
      %add3A_113 = arith.addi %mul3A_29, %add3A_112 : i32
      %mul3A_114 = arith.constant 128 : i32
      %mul3A_115 = arith.muli %add3A_113, %mul3A_114 : i32
      %add3A_116 = arith.addi %mul3A_2, %mul3A_115 : i32
      %dma_start3A_117 = arith.constant 0 : i32
      %dma_start3A_118 = tpu.memref_slice %arg4[%add3A_116, %dma_start3A_117] : memref<819200x128xf32, #tpu.memory_space<hbm>> -> memref<128x128xf32, #tpu.memory_space<hbm>>
      %dma_start3A_119 = arith.constant 0 : i32
      %dma_start3A_120 = tpu.memref_slice %arg4[%add3A_116, %dma_start3A_119] : memref<819200x128xf32, #tpu.memory_space<hbm>> -> memref<128x128xf32, #tpu.memory_space<hbm>>
      tpu.enqueue_dma source(%arg7 : memref<128x128xf32, #tpu.memory_space<vmem>>) target(%dma_start3A_120 : memref<128x128xf32, #tpu.memory_space<hbm>>) target_semaphore(%arg17 : memref<!tpu.dma_semaphore, #tpu.memory_space<semaphore_mem>>)
      %dma_wait3A_121 = arith.constant 0 : i32
      %dma_wait3A_122 = tpu.memref_slice %arg5[%add3A_58, %dma_wait3A_121] : memref<200x128xi32, #tpu.memory_space<vmem>> -> memref<1x128xi32, #tpu.memory_space<vmem>>
      %dma_wait3A_123 = tpu.memref_squeeze %dma_wait3A_122 : memref<1x128xi32, #tpu.memory_space<vmem>> -> memref<128xi32, #tpu.memory_space<vmem>>
      %dma_wait3A_124 = arith.constant 0 : i32
      %dma_wait3A_125 = arith.constant 0 : i32
      %dma_wait3A_126 = tpu.memref_slice %arg3[%dma_wait3A_124, %dma_wait3A_125] : memref<100000x128xf32, #tpu.memory_space<hbm>> -> memref<100000x128xf32, #tpu.memory_space<hbm>>
      tpu.wait_indirect_dma semaphore(%arg13 : memref<!tpu.dma_semaphore, #tpu.memory_space<semaphore_mem>>) src(%dma_wait3A_126 : memref<100000x128xf32, #tpu.memory_space<hbm>>) dst(%arg8 : memref<128x128xf32, #tpu.memory_space<vmem>>)
      %add3A_127 = arith.constant 2 : i32
      %add3A_128 = arith.addi %mul3A_29, %add3A_127 : i32
      %mul3A_129 = arith.constant 128 : i32
      %mul3A_130 = arith.muli %add3A_128, %mul3A_129 : i32
      %add3A_131 = arith.addi %mul3A_2, %mul3A_130 : i32
      %dma_start3A_132 = arith.constant 0 : i32
      %dma_start3A_133 = tpu.memref_slice %arg4[%add3A_131, %dma_start3A_132] : memref<819200x128xf32, #tpu.memory_space<hbm>> -> memref<128x128xf32, #tpu.memory_space<hbm>>
      %dma_start3A_134 = arith.constant 0 : i32
      %dma_start3A_135 = tpu.memref_slice %arg4[%add3A_131, %dma_start3A_134] : memref<819200x128xf32, #tpu.memory_space<hbm>> -> memref<128x128xf32, #tpu.memory_space<hbm>>
      tpu.enqueue_dma source(%arg8 : memref<128x128xf32, #tpu.memory_space<vmem>>) target(%dma_start3A_135 : memref<128x128xf32, #tpu.memory_space<hbm>>) target_semaphore(%arg18 : memref<!tpu.dma_semaphore, #tpu.memory_space<semaphore_mem>>)
      %dma_wait3A_136 = arith.constant 0 : i32
      %dma_wait3A_137 = tpu.memref_slice %arg5[%add3A_71, %dma_wait3A_136] : memref<200x128xi32, #tpu.memory_space<vmem>> -> memref<1x128xi32, #tpu.memory_space<vmem>>
      %dma_wait3A_138 = tpu.memref_squeeze %dma_wait3A_137 : memref<1x128xi32, #tpu.memory_space<vmem>> -> memref<128xi32, #tpu.memory_space<vmem>>
      %dma_wait3A_139 = arith.constant 0 : i32
      %dma_wait3A_140 = arith.constant 0 : i32
      %dma_wait3A_141 = tpu.memref_slice %arg3[%dma_wait3A_139, %dma_wait3A_140] : memref<100000x128xf32, #tpu.memory_space<hbm>> -> memref<100000x128xf32, #tpu.memory_space<hbm>>
      tpu.wait_indirect_dma semaphore(%arg14 : memref<!tpu.dma_semaphore, #tpu.memory_space<semaphore_mem>>) src(%dma_wait3A_141 : memref<100000x128xf32, #tpu.memory_space<hbm>>) dst(%arg9 : memref<128x128xf32, #tpu.memory_space<vmem>>)
      %add3A_142 = arith.constant 3 : i32
      %add3A_143 = arith.addi %mul3A_29, %add3A_142 : i32
      %mul3A_144 = arith.constant 128 : i32
      %mul3A_145 = arith.muli %add3A_143, %mul3A_144 : i32
      %add3A_146 = arith.addi %mul3A_2, %mul3A_145 : i32
      %dma_start3A_147 = arith.constant 0 : i32
      %dma_start3A_148 = tpu.memref_slice %arg4[%add3A_146, %dma_start3A_147] : memref<819200x128xf32, #tpu.memory_space<hbm>> -> memref<128x128xf32, #tpu.memory_space<hbm>>
      %dma_start3A_149 = arith.constant 0 : i32
      %dma_start3A_150 = tpu.memref_slice %arg4[%add3A_146, %dma_start3A_149] : memref<819200x128xf32, #tpu.memory_space<hbm>> -> memref<128x128xf32, #tpu.memory_space<hbm>>
      tpu.enqueue_dma source(%arg9 : memref<128x128xf32, #tpu.memory_space<vmem>>) target(%dma_start3A_150 : memref<128x128xf32, #tpu.memory_space<hbm>>) target_semaphore(%arg19 : memref<!tpu.dma_semaphore, #tpu.memory_space<semaphore_mem>>)
      %dma_wait3A_151 = arith.constant 0 : i32
      %dma_wait3A_152 = tpu.memref_slice %arg5[%add3A_84, %dma_wait3A_151] : memref<200x128xi32, #tpu.memory_space<vmem>> -> memref<1x128xi32, #tpu.memory_space<vmem>>
      %dma_wait3A_153 = tpu.memref_squeeze %dma_wait3A_152 : memref<1x128xi32, #tpu.memory_space<vmem>> -> memref<128xi32, #tpu.memory_space<vmem>>
      %dma_wait3A_154 = arith.constant 0 : i32
      %dma_wait3A_155 = arith.constant 0 : i32
      %dma_wait3A_156 = tpu.memref_slice %arg3[%dma_wait3A_154, %dma_wait3A_155] : memref<100000x128xf32, #tpu.memory_space<hbm>> -> memref<100000x128xf32, #tpu.memory_space<hbm>>
      tpu.wait_indirect_dma semaphore(%arg15 : memref<!tpu.dma_semaphore, #tpu.memory_space<semaphore_mem>>) src(%dma_wait3A_156 : memref<100000x128xf32, #tpu.memory_space<hbm>>) dst(%arg10 : memref<128x128xf32, #tpu.memory_space<vmem>>)
      %add3A_157 = arith.constant 4 : i32
      %add3A_158 = arith.addi %mul3A_29, %add3A_157 : i32
      %mul3A_159 = arith.constant 128 : i32
      %mul3A_160 = arith.muli %add3A_158, %mul3A_159 : i32
      %add3A_161 = arith.addi %mul3A_2, %mul3A_160 : i32
      %dma_start3A_162 = arith.constant 0 : i32
      %dma_start3A_163 = tpu.memref_slice %arg4[%add3A_161, %dma_start3A_162] : memref<819200x128xf32, #tpu.memory_space<hbm>> -> memref<128x128xf32, #tpu.memory_space<hbm>>
      %dma_start3A_164 = arith.constant 0 : i32
      %dma_start3A_165 = tpu.memref_slice %arg4[%add3A_161, %dma_start3A_164] : memref<819200x128xf32, #tpu.memory_space<hbm>> -> memref<128x128xf32, #tpu.memory_space<hbm>>
      tpu.enqueue_dma source(%arg10 : memref<128x128xf32, #tpu.memory_space<vmem>>) target(%dma_start3A_165 : memref<128x128xf32, #tpu.memory_space<hbm>>) target_semaphore(%arg20 : memref<!tpu.dma_semaphore, #tpu.memory_space<semaphore_mem>>)
    }
    %scan3A_7 = arith.constant 40 : i32
    %dma_wait3A = arith.constant 0 : i32
    %dma_wait3A_8 = tpu.memref_slice %arg4[%mul3A_2, %dma_wait3A] : memref<819200x128xf32, #tpu.memory_space<hbm>> -> memref<128x128xf32, #tpu.memory_space<hbm>>
    %dma_wait3A_9 = arith.constant 0 : i32
    %dma_wait3A_10 = tpu.memref_slice %arg4[%mul3A_2, %dma_wait3A_9] : memref<819200x128xf32, #tpu.memory_space<hbm>> -> memref<128x128xf32, #tpu.memory_space<hbm>>
    tpu.wait_dma2 semaphore(%arg16 : memref<!tpu.dma_semaphore, #tpu.memory_space<semaphore_mem>>) src(%arg6 : memref<128x128xf32, #tpu.memory_space<vmem>>) dst(%dma_wait3A_10 : memref<128x128xf32, #tpu.memory_space<hbm>>)
    %dma_wait3A_11 = arith.constant 0 : i32
    %dma_wait3A_12 = tpu.memref_slice %arg4[%mul3A_2, %dma_wait3A_11] : memref<819200x128xf32, #tpu.memory_space<hbm>> -> memref<128x128xf32, #tpu.memory_space<hbm>>
    %dma_wait3A_13 = arith.constant 0 : i32
    %dma_wait3A_14 = tpu.memref_slice %arg4[%mul3A_2, %dma_wait3A_13] : memref<819200x128xf32, #tpu.memory_space<hbm>> -> memref<128x128xf32, #tpu.memory_space<hbm>>
    tpu.wait_dma2 semaphore(%arg17 : memref<!tpu.dma_semaphore, #tpu.memory_space<semaphore_mem>>) src(%arg7 : memref<128x128xf32, #tpu.memory_space<vmem>>) dst(%dma_wait3A_14 : memref<128x128xf32, #tpu.memory_space<hbm>>)
    %dma_wait3A_15 = arith.constant 0 : i32
    %dma_wait3A_16 = tpu.memref_slice %arg4[%mul3A_2, %dma_wait3A_15] : memref<819200x128xf32, #tpu.memory_space<hbm>> -> memref<128x128xf32, #tpu.memory_space<hbm>>
    %dma_wait3A_17 = arith.constant 0 : i32
    %dma_wait3A_18 = tpu.memref_slice %arg4[%mul3A_2, %dma_wait3A_17] : memref<819200x128xf32, #tpu.memory_space<hbm>> -> memref<128x128xf32, #tpu.memory_space<hbm>>
    tpu.wait_dma2 semaphore(%arg18 : memref<!tpu.dma_semaphore, #tpu.memory_space<semaphore_mem>>) src(%arg8 : memref<128x128xf32, #tpu.memory_space<vmem>>) dst(%dma_wait3A_18 : memref<128x128xf32, #tpu.memory_space<hbm>>)
    %dma_wait3A_19 = arith.constant 0 : i32
    %dma_wait3A_20 = tpu.memref_slice %arg4[%mul3A_2, %dma_wait3A_19] : memref<819200x128xf32, #tpu.memory_space<hbm>> -> memref<128x128xf32, #tpu.memory_space<hbm>>
    %dma_wait3A_21 = arith.constant 0 : i32
    %dma_wait3A_22 = tpu.memref_slice %arg4[%mul3A_2, %dma_wait3A_21] : memref<819200x128xf32, #tpu.memory_space<hbm>> -> memref<128x128xf32, #tpu.memory_space<hbm>>
    tpu.wait_dma2 semaphore(%arg19 : memref<!tpu.dma_semaphore, #tpu.memory_space<semaphore_mem>>) src(%arg9 : memref<128x128xf32, #tpu.memory_space<vmem>>) dst(%dma_wait3A_22 : memref<128x128xf32, #tpu.memory_space<hbm>>)
    %dma_wait3A_23 = arith.constant 0 : i32
    %dma_wait3A_24 = tpu.memref_slice %arg4[%mul3A_2, %dma_wait3A_23] : memref<819200x128xf32, #tpu.memory_space<hbm>> -> memref<128x128xf32, #tpu.memory_space<hbm>>
    %dma_wait3A_25 = arith.constant 0 : i32
    %dma_wait3A_26 = tpu.memref_slice %arg4[%mul3A_2, %dma_wait3A_25] : memref<819200x128xf32, #tpu.memory_space<hbm>> -> memref<128x128xf32, #tpu.memory_space<hbm>>
    tpu.wait_dma2 semaphore(%arg20 : memref<!tpu.dma_semaphore, #tpu.memory_space<semaphore_mem>>) src(%arg10 : memref<128x128xf32, #tpu.memory_space<vmem>>) dst(%dma_wait3A_26 : memref<128x128xf32, #tpu.memory_space<hbm>>)
    return
  }
}

</mosaic_0001>

<sc_bundles>
// kernel: kernel.3.cloned.1.call-start
scs
__scs_entry_jumppad:
0x0: {  	(pc) =	sbr.rel $0x88, $3  }
0x1: {  	(tag) =	ssettag $0x0;
	lr =	simm.s32 $0x1  }
0x2: {  	[smem:$0x3F9F] =	sst lr;
	_ =	strace $0xD0000000  }
0x3: {  	_ = 	snop  }
0x4: {  	_ = 	snop  }
0x5: {  	_ = 	snop  }
0x6: {  	_ = 	snop  }
0x7: {  	_ = 	snop  }
__scs_overlays_trampoline_lowered:
0x8: {  	[smem:$0x3FAE] =	sst s0  }
0x9: {  	[smem:$0x3FAF] =	sst s1  }
0xa: {  	[smem:$0x3FB0] =	sst s2  }
0xb: {  	[smem:$0x3FB1] =	sst s3  }
0xc: {  	[smem:$0x3FB2] =	sst s4  }
0xd: {  	[smem:$0x3FB3] =	sst s5  }
0xe: {  	[smem:$0x3FB4] =	sst s6  }
0xf: {  	[smem:$0x3FB5] =	sst s7  }
0x10: {  	[smem:$0x3FB6] =	sst s8  }
0x11: {  	[smem:$0x3FB7] =	sst s9;
	s0 =	simm.s32 @!p0 $0x0  }
0x12: {  	s1 =	sld [smem:$0x3F9D];
	s0 =	simm.s32 @p0 $0x1  }
0x13: {  	[smem:$0x3FB8] =	sst s0;
	s0 =	simm.s32 @!p1 $0x0  }
0x14: {  	s2 =	sld [smem:$0x3F9C];
	s0 =	simm.s32 @p1 $0x1  }
0x15: {  	[smem:$0x3FB9] =	sst s0;
	s0 =	simm.s32 @!p2 $0x0  }
0x16: {  	s3 =	sld [smem:$0x3FDB];
	s0 =	simm.s32 @p2 $0x1  }
0x17: {  	s4 =	simm.s32 $0x1BF5;
	[smem:$0x3FBB] =	sst s0  }
0x18: {  	s0 =	sld [smem:$0x3F9E];
	_ =	swait.ge [sflag:s4], $0x0  }
0x19: {  	s7 =	sld [smem:$0x3F9F]  }
0x1a: {  	s8 =	sadd.s32 $0xFFFFE003, lr  }
0x1b: {  	s9 =	sadd.s32 $0xFFFFFEF7, lr;
	s5 =	simm.s32 $0xFFFFFFFF;
	p2 =	slt.u32 s8, $0xFFFFF086  }
0x1c: {  	p1 =	slt.u32 s9, $0xF7A;
	s5 =	simm.s32 @!p2 $0x0  }
0x1d: {  	s5 =	simm.s32 @p1 $0x1;
	p0 =	seq.s32 s7, s2  }
0x1e: {  	s7 =	smul.u32 @!p0 $0xF7A, s2;
	p2 =	seq.s32 @!p0 s5, $0x0  }
0x1f: {  	s9 =	smul.u32 $0xF7A, s1;
	s8 =	simm.s32 @!p0 $0x1BF5;
	p2 =	por !p2, p0  }
0x20: {  	[sflag:s8] =	ssyncset.s32 @!p0 $0xFFFFF086;
	s6 =	sadd.s32 @!p0 s3, s7;
	s7 =	simm.s32 @!p0 $0x108  }
0x21: {  	s3 =	sadd.s32 s3, s9;
	s6 =	sadd.s32 @!p0 $0x88, s6;
	s7 =	simm.s32 @p2 $0x1082  }
0x22: {  	[simem:s7], [sflag:s8] =	dma.local @!p0 [hbm:s6], $0xF7A  }
0x23: {  	s9 =	sor.u32 $0xD0000000, s2;
	s6 =	simm.s32 $0x108;
	_ =	swait.ge @!p0 [sflag:s8], $0x0  }
0x24: {  	s3 =	sadd.s32 $0x88, s3;
	s6 =	simm.s32 @!p1 $0x1082;
	[sflag:s4] =	ssyncset.s32 $0xFFFFF086  }
0x25: {  	[simem:s6], [sflag:s4] =	dma.local [hbm:s3], $0xF7A  }
0x26: {  	[smem:$0x3F9F] =	sst s1;
	(tag) =	ssettag s2;
	_ =	strace s9  }
0x27: {  	s1 =	sld [smem:$0x3FAF]  }
0x28: {  	s2 =	sld [smem:$0x3FB0]  }
0x29: {  	s4 =	sld [smem:$0x3FB2]  }
0x2a: {  	p0 =	seq.s32 s5, $0x0;
	s5 =	sld [smem:$0x3FB3]  }
0x2b: {  	s6 =	sld [smem:$0x3FB4]  }
0x2c: {  	s7 =	sld [smem:$0x3FB5]  }
0x2d: {  	s3 =	simm.s32 $0x108;
	s8 =	sld [smem:$0x3FB6]  }
0x2e: {  	s3 =	simm.s32 @!p0 $0x1082;
	s9 =	sld [smem:$0x3FB7]  }
0x2f: {  	lr =	sadd.s32 s0, s3;
	s0 =	sld [smem:$0x3FAE]  }
0x30: {  	s3 =	sld [smem:$0x3FB1]  }
0x31: {  	[smem:$0x3FBA] =	sst s10  }
0x32: {  	s10 =	sld [smem:$0x3FB8];
	_ =	sdelay $0x3  }
0x33: {  	p0 =	seq.s32 s10, $0x1;
	s10 =	sld [smem:$0x3FBA];
	_ =	sdelay $0x3  }
0x34: {  	[smem:$0x3FBA] =	sst s10  }
0x35: {  	s10 =	sld [smem:$0x3FB9];
	_ =	sdelay $0x3  }
0x36: {  	p1 =	seq.s32 s10, $0x1;
	s10 =	sld [smem:$0x3FBA];
	_ =	sdelay $0x3  }
0x37: {  	[smem:$0x3FBA] =	sst s10  }
0x38: {  	s10 =	sld [smem:$0x3FBB]  }
0x39: {  	_ = 	snop;
	(pc) =	sbr.ind lr, $3  }
0x3a: {  	_ = 	snop  }
0x3b: {  	_ = 	snop  }
0x3c: {  	p2 =	seq.s32 s10, $0x1;
	s10 =	sld [smem:$0x3FBA]  }
0x3d: {  	_ =	shalt  }
0x3e: {  	_ =	shalt  }
0x3f: {  	_ =	shalt  }
0x40: {  	_ =	shalt  }
0x41: {  	_ =	shalt  }
0x42: {  	_ =	shalt  }
0x43: {  	_ =	shalt  }
0x44: {  	_ =	shalt  }
0x45: {  	_ =	shalt  }
0x46: {  	_ =	shalt  }
0x47: {  	_ =	shalt  }
0x48: {  	_ =	shalt  }
0x49: {  	_ =	shalt  }
0x4a: {  	_ =	shalt  }
0x4b: {  	_ =	shalt  }
0x4c: {  	_ =	shalt  }
0x4d: {  	_ =	shalt  }
0x4e: {  	_ =	shalt  }
0x4f: {  	_ =	shalt  }
0x50: {  	_ =	shalt  }
0x51: {  	_ =	shalt  }
0x52: {  	_ =	shalt  }
0x53: {  	_ =	shalt  }
0x54: {  	_ =	shalt  }
0x55: {  	_ =	shalt  }
0x56: {  	_ =	shalt  }
0x57: {  	_ =	shalt  }
0x58: {  	_ =	shalt  }
0x59: {  	_ =	shalt  }
0x5a: {  	_ =	shalt  }
0x5b: {  	_ =	shalt  }
0x5c: {  	_ =	shalt  }
0x5d: {  	_ =	shalt  }
0x5e: {  	_ =	shalt  }
0x5f: {  	_ =	shalt  }
0x60: {  	_ =	shalt  }
0x61: {  	_ =	shalt  }
0x62: {  	_ =	shalt  }
0x63: {  	_ =	shalt  }
0x64: {  	_ =	shalt  }
0x65: {  	_ =	shalt  }
0x66: {  	_ =	shalt  }
0x67: {  	_ =	shalt  }
0x68: {  	_ =	shalt  }
0x69: {  	_ =	shalt  }
0x6a: {  	_ =	shalt  }
0x6b: {  	_ =	shalt  }
0x6c: {  	_ =	shalt  }
0x6d: {  	_ =	shalt  }
0x6e: {  	_ =	shalt  }
0x6f: {  	_ =	shalt  }
0x70: {  	_ =	shalt  }
0x71: {  	_ =	shalt  }
0x72: {  	_ =	shalt  }
0x73: {  	_ =	shalt  }
0x74: {  	_ =	shalt  }
0x75: {  	_ =	shalt  }
0x76: {  	_ =	shalt  }
0x77: {  	_ =	shalt  }
0x78: {  	_ =	shalt  }
0x79: {  	_ =	shalt  }
0x7a: {  	_ =	shalt  }
0x7b: {  	_ =	shalt  }
0x7c: {  	_ =	shalt  }
0x7d: {  	_ =	shalt  }
0x7e: {  	_ =	shalt  }
0x7f: {  	_ =	shalt  }
0x80: {  	_ =	shalt  }
0x81: {  	_ =	shalt  }
0x82: {  	_ =	shalt  }
0x83: {  	_ =	shalt  }
0x84: {  	_ =	shalt  }
0x85: {  	_ =	shalt  }
0x86: {  	_ =	shalt  }
0x87: {  	_ =	shalt  }
.Lfunc_end0:
.L_simem_size_0:
called_computation.1_lowered:
.L_overlay_start_0:
0x88: {  	s2 =	sld [smem:$0x3FD9]  }
0x89: {  	s3 =	sld [smem:$0x3FFE];
	_ =	sdelay $0x1  }
0x8a: {  	s1 =	srdreg.scid  }
0x8b: {  	s0 =	sand.u32 $0x1, s1  }
0x8c: {  	s16 =	sshll.u32 s0, $0xA;
	s2 =	sadd.s32 s3, s2  }
0x8d: {  	s2 =	sadd.s32 s2, s16  }
0x8e: {  	[smem:$0x3FC6] =	sst s2  }
0x8f: {  	_ = 	snop  }
0x90: {  	(tm) =	ssettm $0x1  }
0x91: {  	s17 =	sld [smem:$0x3FFB];
	_ =	sdelay $0x3  }
0x92: {  	_ =	strace s17  }
0x93: {  	s2 =	sld [smem:$0x3FFC];
	_ =	sdelay $0x3  }
0x94: {  	_ =	strace s2  }
0x95: {  	s2 =	sld [smem:$0x3FFD];
	_ =	sdelay $0x3  }
0x96: {  	_ =	strace s2  }
0x97: {  	_ =	strace $0x8FFFFFFF  }
0x98: {  	s18 =	sld [smem:$0x3FDB];
	_ =	sdelay $0x1  }
0x99: {  	s19 =	simm.s32 $_scs_section_size  }
0x9a: {  	s4 =	simm.s32 $_size__tile_overlayer_lowered;
	s5 =	simm.s32 $_tile_overlayer_lowered  }
0x9b: {  	s22 =	simm.s32 $0x1BFF;
	s21 =	sshll.u32 s5, $0x1;
	s2 =	sadd.s32 s19, s18  }
0x9c: {  	s6 =	simm.s32 $0x0;
	s20 =	sshll.u32 s4, $0x1;
	s4 =	sadd.s32 s21, s2  }
0x9d: {  	[timem:s6], [sflag:s22] =	dma.local [hbm:s4], s20  }
0x9e: {  	_ =	swait.ge [sflag:s22], s20  }
0x9f: {  	s3 =	ssub.s32 $0x0, s20;
	[sflag:s22] =	ssyncset.done $0x0  }
0xa0: {  	[sflag:s22] =	ssyncadd.s32 s3;
	_ =	sdelay $0x1  }
0xa1: {  	s23 =	simm.s32 $0x1B8B  }
0xa2: {  	_ =	swait.ge [sflag:s23], $0x1  }
0xa3: {  	[sflag:s23] =	ssyncset.done $0x0  }
0xa4: {  	s25 =	simm.s32 $0x1B8E;
	s24 =	sld [smem:$0x3FFE];
	[sflag:s23] =	ssyncadd.s32 $0xFFFFFFFF  }
0xa5: {  	s26 =	simm.s32 $execute0_lowered;
	[smem:$0x3FD2] =	sst s25  }
0xa6: {  	s4 =	sshll.u32 s26, $0x1;
	_ =	strace $0x80000046;
	[dreg:$0x1] =	wrdreg $0xFFFFFFFF  }
0xa7: {  	s28 =	simm.s32 $_size_execute0_lowered;
	s2 =	sadd.s32 s2, s4;
	[dreg:$0x0] =	wrdreg $0x0  }
0xa8: {  	s4 =	sshll.u32 s28, $0x1;
	[dreg:$0x2] =	wrdreg s2  }
0xa9: {  	[dreg:$0x3] =	wrdreg s4  }
0xaa: {  	[dreg:$0x4] =	wrdreg $0xC0  }
0xab: {  	_ =	task [dreg:s6], $0x5FFFF  }
0xac: {  	[dreg:$0x1] =	wrdreg $0xFFFFFFFF  }
0xad: {  	[dreg:$0x0] =	wrdreg $0x60  }
0xae: {  	[dreg:$0x2] =	wrdreg s24  }
0xaf: {  	[dreg:$0x3] =	wrdreg $0x9  }
0xb0: {  	_ =	task.clear_ibuf [dreg:s6], $0x4FFFF;
	_ =	strace $0x90000046  }
0xb1: {  	s29 =	simm.s32 $0x9;
	_ =	strace $0x80000048  }
0xb2: {  	_ =	swait.ge [sflag:s29], $0x1  }
0xb3: {  	[sflag:s29] =	ssyncadd.s32 $0xFFFFFFFF  }
0xb4: {  	_ =	strace $0x90000048  }
0xb5: {  	_ =	sfence  }
0xb6: {  	s30 =	sld [smem:$0x0];
	_ =	sdelay $0x2  }
0xb7: {  	s31 =	sshll.u32 s1, $0xD;
	s1 =	sshrl.u32 s1, $0x2  }
0xb8: {  	s3 =	sand.u32 $0x4000, s31;
	s1 =	sadd.s32 s1, s30  }
0xb9: {  	s0 =	sor.u32 s3, s0;
	s1 =	sshll.u32 s1, $0x11  }
0xba: {  	s0 =	sor.u32 s1, s0  }
0xbb: {  	s0 =	sadd.s32 $0x8F2B, s0  }
0xbc: {  	[sflag:s0] =	ssyncadd.remote.s32 $0x1  }
0xbd: {  	_ =	sfence.sel $0xFFFF  }
0xbe: {  	[dreg:$0x0] =	wrdreg $0xFFFFFFFF;
	(pc) =	sbr.abs _section_cstart, $3  }
0xbf: {  	[dreg:$0x1] =	wrdreg $0xFFFFFFFF  }
0xc0: {  	_ =	task.clear_ibuf [dreg:s6], $0x2FFFF;
	_ =	strace $0x9FFFFFFF  }
0xc1: {  	(tm) =	ssettm $0x7FFFFFFF  }
tec
execute0_lowered:
.L_overlay_start_1:
0x0: {  	(tag) =	ssettag $0x1  }
0x1: {  	s1 =	srdreg.scid;
	s0 =	stileid.u32  }
0x2: {  	s5 =	rddreg [dreg:$0x0];
	s2 =	simm.s32 $0x0;
	s9 =	simm.s32 $0x80  }
0x3: {  	s11 =	simm.s32 $0x6400;
	s10 =	simm.s32 $0x1;
	s12 =	simm.s32 $0xA400  }
0x4: {  	s13 =	simm.s32 $0xE400;
	s14 =	simm.s32 $0x12400;
	s15 =	simm.s32 $0x6  }
0x5: {  	s16 =	simm.s32 $0x7;
	s17 =	simm.s32 $0x8;
	s18 =	simm.s32 $0x9  }
0x6: {  	s19 =	simm.s32 $0xA;
	s4 =	sand.u32 $0x1, s1;
	s29 =	sshll.u32 s0, $0x1  }
0x7: {  	s20 =	simm.s32 $0x0;
	[smem:$0x7FF] =	sst s2;
	s3 =	sor.u32 s4, s29  }
0x8: {  	_ =	strace $0x80000047;
	s7 =	ssub.s32 $0x2, s4;
	[dreg:$0x2] =	wrdreg s9  }
0x9: {  	s4 =	sadd.s32 $0x19800, s5;
	s9 =	simm.s32 $0x16400;
	[dreg:$0x3] =	wrdreg s11  }
0xa: {  	s11 =	simm.s32 $0x2;
	[dreg:$0x4] =	wrdreg s12;
	s3 =	smul.u32 $0x6400, s3  }
0xb: {  	s12 =	simm.s32 $0x3;
	[dreg:$0x5] =	wrdreg s13;
	s8 =	sshrl.u32 s7, $0x1  }
0xc: {  	s13 =	simm.s32 $0x4;
	s7 =	ssub.s32 s7, s8;
	s6 =	sshrl.u32 s3, $0x3  }
0xd: {  	[dreg:$0x6] =	wrdreg s14;
	s31 =	smax.u32 s7, $0x1;
	s6 =	sadd.s32 s6, s5  }
0xe: {  	s14 =	simm.s32 $0x5;
	[dreg:$0x8] =	wrdreg s31;
	s30 =	sadd.s32 $0x800, s6  }
0xf: {  	s8 =	simm.s32 $0xB;
	s5 =	sadd.s32 $0x1A0200, s5;
	[dreg:$0x7] =	wrdreg s30  }
.LBB2_1:
0x10: {  	s0 =	rddreg [dreg:$0x7]  }
0x11: {  	[tilespmem:s2], [sflag:$0xB] =	stream.linear.gather [hbm4b:s0+s2], $0x6400, $0x38;
	[tilespmem:$0x1A400] =	vst v63  }
0x12: {  	_ =	swait.ge [sflag:s8], $0x6400  }
0x13: {  	p0 =	por $0x0, $0x0;
	[sflag:s8] =	ssyncset.done $0x0  }
0x14: {  	s21 =	simm.s32 @p0 $0x6;
	[sflag:s8] =	ssyncadd.s32 $0xFFFF9C00  }
0x15: {  	_ =	swait.ge @p0 [sflag:s21], $0x4000  }
0x16: {  	s22 =	simm.s32 @p0 $0x80;
	[sflag:s21] =	ssyncset.done @p0 $0x0  }
0x17: {  	s23 =	simm.s32 @p0 $0x6400;
	[sflag:s21] =	ssyncadd.s32 @p0 $0xFFFFC000;
	s21 =	simm.s32 @p0 $0x7  }
0x18: {  	[tilespmem:s23], [sflag:$0x1] =	stream.indirect.gather @p0 [hbm4b:s4+s22], $0x80, s2, s22, $0xb8;
	[tilespmem:$0x1A400] =	vst v63  }
0x19: {  	_ =	swait.ge @p0 [sflag:s21], $0x4000  }
0x1a: {  	s24 =	simm.s32 @p0 $0xA400;
	[sflag:s21] =	ssyncset.done @p0 $0x0  }
0x1b: {  	s23 =	simm.s32 @p0 $0x80;
	[sflag:s21] =	ssyncadd.s32 @p0 $0xFFFFC000;
	s21 =	simm.s32 @p0 $0x8  }
0x1c: {  	[tilespmem:s24], [sflag:$0x2] =	stream.indirect.gather @p0 [hbm4b:s4+s22], $0x80, s23, s22, $0xb8;
	[tilespmem:$0x1A400] =	vst v63  }
0x1d: {  	_ =	swait.ge @p0 [sflag:s21], $0x4000  }
0x1e: {  	s23 =	simm.s32 @p0 $0x100;
	[sflag:s21] =	ssyncset.done @p0 $0x0  }
0x1f: {  	s24 =	simm.s32 @p0 $0xE400;
	[sflag:s21] =	ssyncadd.s32 @p0 $0xFFFFC000;
	s21 =	simm.s32 @p0 $0x9  }
0x20: {  	[tilespmem:s24], [sflag:$0x3] =	stream.indirect.gather @p0 [hbm4b:s4+s22], $0x80, s23, s22, $0xb8;
	[tilespmem:$0x1A400] =	vst v63  }
0x21: {  	_ =	swait.ge @p0 [sflag:s21], $0x4000  }
0x22: {  	s23 =	simm.s32 @p0 $0x180;
	[sflag:s21] =	ssyncset.done @p0 $0x0  }
0x23: {  	s24 =	simm.s32 @p0 $0x12400;
	[sflag:s21] =	ssyncadd.s32 @p0 $0xFFFFC000;
	s21 =	simm.s32 @p0 $0xA  }
0x24: {  	[tilespmem:s24], [sflag:$0x4] =	stream.indirect.gather @p0 [hbm4b:s4+s22], $0x80, s23, s22, $0xb8;
	[tilespmem:$0x1A400] =	vst v63  }
0x25: {  	_ =	swait.ge @p0 [sflag:s21], $0x4000  }
0x26: {  	s22 =	simm.s32 @!p0 $0x80;
	[sflag:s21] =	ssyncset.done @p0 $0x0  }
0x27: {  	s23 =	simm.s32 @!p0 $0x0;
	[sflag:s21] =	ssyncadd.s32 @p0 $0xFFFFC000;
	s21 =	simm.s32 @!p0 $0x6400  }
0x28: {  	[tilespmem:s21], [sflag:$0x1] =	stream.indirect.gather @!p0 [hbm4b:s4+s22], $0x80, s23, s22, $0xb8;
	[tilespmem:$0x1A400] =	vst v63  }
0x29: {  	s23 =	simm.s32 @!p0 $0xA400  }
0x2a: {  	[tilespmem:s23], [sflag:$0x2] =	stream.indirect.gather @!p0 [hbm4b:s4+s22], $0x80, s22, s22, $0xb8;
	[tilespmem:$0x1A400] =	vst v63  }
0x2b: {  	s24 =	simm.s32 @!p0 $0xE400;
	s21 =	simm.s32 @p0 $0x0;
	s23 =	simm.s32 @!p0 $0x100  }
0x2c: {  	[tilespmem:s24], [sflag:$0x3] =	stream.indirect.gather @!p0 [hbm4b:s4+s22], $0x80, s23, s22, $0xb8;
	[tilespmem:$0x1A400] =	vst v63  }
0x2d: {  	s21 =	simm.s32 @!p0 $0x0;
	s23 =	simm.s32 @!p0 $0x180;
	s24 =	simm.s32 @!p0 $0x12400  }
0x2e: {  	[tilespmem:s24], [sflag:$0x4] =	stream.indirect.gather @!p0 [hbm4b:s4+s22], $0x80, s23, s22, $0xb8;
	[tilespmem:$0x1A400] =	vst v63  }
0x2f: {  	s25 =	rddreg [dreg:$0x2];
	s6 =	sadd.s32 $0x200, s21;
	s21 =	sadd.s32 s3, s21  }
0x30: {  	[tilespmem:s9], [sflag:$0x5] =	stream.indirect.gather [hbm4b:s4+s25], $0x80, s6, s25, $0xb8;
	[tilespmem:$0x1A400] =	vst v63  }
0x31: {  	s21 =	sshll.u32 s21, $0x4;
	s24 =	simm.s32 @p0 $0x80;
	_ =	swait.ge [sflag:s10], $0x4000  }
0x32: {  	s21 =	sadd.s32 s5, s21;
	s24 =	simm.s32 @!p0 $0x80;
	[sflag:s10] =	ssyncset.done $0x0  }
0x33: {  	s24 =	sadd.s32 s3, s24;
	s7 =	rddreg [dreg:$0x3];
	[sflag:s10] =	ssyncadd.s32 $0xFFFFC000  }
0x34: {  	[hbm4b:s21+s2] =	stream.linear.scatter [tilespmem:s7], [sflag:$0x6], $0x4000, $0x38;
	[tilespmem:$0x1A400] =	vst v63  }
0x35: {  	s23 =	simm.s32 $0x680;
	s21 =	sshll.u32 s24, $0x4;
	_ =	swait.ge [sflag:s11], $0x4000  }
0x36: {  	s24 =	simm.s32 @p0 $0x100;
	s21 =	sadd.s32 s5, s21;
	[sflag:s11] =	ssyncset.done $0x0  }
0x37: {  	s24 =	simm.s32 @!p0 $0x100;
	s25 =	rddreg [dreg:$0x4];
	[sflag:s11] =	ssyncadd.s32 $0xFFFFC000  }
0x38: {  	[hbm4b:s21+s2] =	stream.linear.scatter [tilespmem:s25], [sflag:$0x7], $0x4000, $0x38;
	[tilespmem:$0x1A400] =	vst v63  }
0x39: {  	s26 =	sadd.s32 s3, s24;
	s24 =	simm.s32 $0x180;
	_ =	swait.ge [sflag:s12], $0x4000  }
0x3a: {  	s24 =	simm.s32 @!p0 $0x180;
	s21 =	sshll.u32 s26, $0x4;
	[sflag:s12] =	ssyncset.done $0x0  }
0x3b: {  	s21 =	sadd.s32 s5, s21;
	s28 =	rddreg [dreg:$0x5];
	[sflag:s12] =	ssyncadd.s32 $0xFFFFC000  }
0x3c: {  	[hbm4b:s21+s2] =	stream.linear.scatter [tilespmem:s28], [sflag:$0x8], $0x4000, $0x38;
	[tilespmem:$0x1A400] =	vst v63  }
0x3d: {  	s22 =	sadd.s32 s3, s6;
	s29 =	sadd.s32 s3, s24;
	_ =	swait.ge [sflag:s13], $0x4000  }
0x3e: {  	s31 =	sshll.u32 s22, $0x4;
	s21 =	sshll.u32 s29, $0x4;
	[sflag:s13] =	ssyncset.done $0x0  }
0x3f: {  	s21 =	sadd.s32 s5, s21;
	s30 =	rddreg [dreg:$0x6];
	[sflag:s13] =	ssyncadd.s32 $0xFFFFC000  }
0x40: {  	[hbm4b:s21+s2] =	stream.linear.scatter [tilespmem:s30], [sflag:$0x9], $0x4000, $0x38;
	[tilespmem:$0x1A400] =	vst v63  }
0x41: {  	s22 =	simm.s32 $0x280;
	p0 =	por $0x1, $0x1;
	s21 =	simm.s32 $0x400  }
.LBB2_2:
0x42: {  	_ =	swait.ge [sflag:s14], $0x4000  }
0x43: {  	s26 =	simm.s32 @p0 $0x6;
	s24 =	sadd.s32 @p0 $0xFFFFFE80, s21;
	[sflag:s14] =	ssyncset.done $0x0  }
0x44: {  	s25 =	sadd.s32 s5, s31;
	s28 =	sadd.s32 @p0 $0xFFFFFF00, s21;
	[sflag:s14] =	ssyncadd.s32 $0xFFFFC000  }
0x45: {  	[hbm4b:s25+s2] =	stream.linear.scatter [tilespmem:s9], [sflag:$0xA], $0x4000, $0x38;
	[tilespmem:$0x1A400] =	vst v63  }
0x46: {  	s31 =	simm.s32 @p0 $0x80;
	s24 =	simm.s32 @!p0 $0x0;
	_ =	swait.ge @p0 [sflag:s26], $0x4000  }
0x47: {  	s1 =	simm.s32 @p0 $0x6400;
	s29 =	sadd.s32 s3, s24;
	[sflag:s26] =	ssyncset.done @p0 $0x0  }
0x48: {  	s25 =	sshll.u32 s29, $0x4;
	s29 =	simm.s32 @p0 $0x7;
	[sflag:s26] =	ssyncadd.s32 @p0 $0xFFFFC000  }
0x49: {  	[tilespmem:s1], [sflag:$0x1] =	stream.indirect.gather @p0 [hbm4b:s4+s31], $0x80, s22, s31, $0xb8;
	[tilespmem:$0x1A400] =	vst v63  }
0x4a: {  	s28 =	simm.s32 @!p0 $0x80;
	_ =	swait.ge @p0 [sflag:s29], $0x4000  }
0x4b: {  	s7 =	sadd.s32 s3, s28;
	s28 =	simm.s32 @p0 $0xA400;
	[sflag:s29] =	ssyncset.done @p0 $0x0  }
0x4c: {  	s1 =	sadd.s32 @p0 $0x80, s22;
	[sflag:s29] =	ssyncadd.s32 @p0 $0xFFFFC000;
	s29 =	simm.s32 @p0 $0x8  }
0x4d: {  	[tilespmem:s28], [sflag:$0x2] =	stream.indirect.gather @p0 [hbm4b:s4+s31], $0x80, s1, s31, $0xb8;
	[tilespmem:$0x1A400] =	vst v63  }
0x4e: {  	s0 =	sadd.s32 @p0 $0xFFFFFF80, s21;
	_ =	swait.ge @p0 [sflag:s29], $0x4000  }
0x4f: {  	s6 =	simm.s32 @p0 $0xE400;
	s0 =	simm.s32 @!p0 $0x100;
	[sflag:s29] =	ssyncset.done @p0 $0x0  }
0x50: {  	s1 =	sadd.s32 @p0 $0x100, s22;
	[sflag:s29] =	ssyncadd.s32 @p0 $0xFFFFC000;
	s29 =	simm.s32 @p0 $0x9  }
0x51: {  	[tilespmem:s6], [sflag:$0x3] =	stream.indirect.gather @p0 [hbm4b:s4+s31], $0x80, s1, s31, $0xb8;
	[tilespmem:$0x1A400] =	vst v63  }
0x52: {  	s0 =	sadd.s32 s3, s0;
	s26 =	sshll.u32 s7, $0x4;
	_ =	swait.ge @p0 [sflag:s29], $0x4000  }
0x53: {  	s7 =	simm.s32 @p0 $0xA;
	s28 =	sshll.u32 s0, $0x4;
	[sflag:s29] =	ssyncset.done @p0 $0x0  }
0x54: {  	s0 =	sadd.s32 @p0 $0x180, s22;
	s1 =	simm.s32 @p0 $0x12400;
	[sflag:s29] =	ssyncadd.s32 @p0 $0xFFFFC000  }
0x55: {  	[tilespmem:s1], [sflag:$0x4] =	stream.indirect.gather @p0 [hbm4b:s4+s31], $0x80, s0, s31, $0xb8;
	[tilespmem:$0x1A400] =	vst v63  }
0x56: {  	_ =	swait.ge @p0 [sflag:s7], $0x4000  }
0x57: {  	s6 =	simm.s32 @!p0 $0x6400;
	[sflag:s7] =	ssyncset.done @p0 $0x0  }
0x58: {  	s0 =	simm.s32 @!p0 $0x80;
	s1 =	simm.s32 @!p0 $0x0;
	[sflag:s7] =	ssyncadd.s32 @p0 $0xFFFFC000  }
0x59: {  	[tilespmem:s6], [sflag:$0x1] =	stream.indirect.gather @!p0 [hbm4b:s4+s0], $0x80, s1, s0, $0xb8;
	[tilespmem:$0x1A400] =	vst v63  }
0x5a: {  	s30 =	smov.u32 s23;
	s21 =	simm.s32 @!p0 $0x180;
	s1 =	simm.s32 @!p0 $0xA400  }
0x5b: {  	[tilespmem:s1], [sflag:$0x2] =	stream.indirect.gather @!p0 [hbm4b:s4+s0], $0x80, s0, s0, $0xb8;
	[tilespmem:$0x1A400] =	vst v63  }
0x5c: {  	s21 =	sadd.s32 s3, s21;
	s6 =	simm.s32 @!p0 $0xE400;
	s1 =	simm.s32 @!p0 $0x100  }
0x5d: {  	[tilespmem:s6], [sflag:$0x3] =	stream.indirect.gather @!p0 [hbm4b:s4+s0], $0x80, s1, s0, $0xb8;
	[tilespmem:$0x1A400] =	vst v63  }
0x5e: {  	s24 =	sadd.s32 $0x200, s24;
	s7 =	simm.s32 @!p0 $0x180;
	s1 =	simm.s32 @!p0 $0x12400  }
0x5f: {  	[tilespmem:s1], [sflag:$0x4] =	stream.indirect.gather @!p0 [hbm4b:s4+s0], $0x80, s7, s0, $0xb8;
	[tilespmem:$0x1A400] =	vst v63  }
0x60: {  	s29 =	sshll.u32 s21, $0x4;
	s21 =	smov.u32 s30;
	s30 =	rddreg [dreg:$0x2]  }
0x61: {  	[tilespmem:s9], [sflag:$0x5] =	stream.indirect.gather [hbm4b:s4+s30], $0x80, s24, s30, $0xb8;
	[tilespmem:$0x1A400] =	vst v63  }
0x62: {  	_ =	swait.ge [sflag:s10], $0x4000  }
0x63: {  	[sflag:s10] =	ssyncset.done $0x0  }
0x64: {  	s6 =	sadd.s32 s5, s25;
	s30 =	rddreg [dreg:$0x3];
	[sflag:s10] =	ssyncadd.s32 $0xFFFFC000  }
0x65: {  	[hbm4b:s6+s2] =	stream.linear.scatter [tilespmem:s30], [sflag:$0x6], $0x4000, $0x38;
	[tilespmem:$0x1A400] =	vst v63  }
0x66: {  	_ =	swait.ge [sflag:s11], $0x4000  }
0x67: {  	s0 =	sadd.s32 s3, s24;
	[sflag:s11] =	ssyncset.done $0x0  }
0x68: {  	s24 =	sadd.s32 s5, s26;
	s7 =	rddreg [dreg:$0x4];
	[sflag:s11] =	ssyncadd.s32 $0xFFFFC000  }
0x69: {  	[hbm4b:s24+s2] =	stream.linear.scatter [tilespmem:s7], [sflag:$0x7], $0x4000, $0x38;
	[tilespmem:$0x1A400] =	vst v63  }
0x6a: {  	s23 =	sadd.s32 $0x280, s23;
	_ =	swait.ge [sflag:s12], $0x4000  }
0x6b: {  	p1 =	sne.s32 s23, $0x6580;
	[sflag:s12] =	ssyncset.done $0x0  }
0x6c: {  	s26 =	sadd.s32 s5, s28;
	s25 =	rddreg [dreg:$0x5];
	[sflag:s12] =	ssyncadd.s32 $0xFFFFC000  }
0x6d: {  	[hbm4b:s26+s2] =	stream.linear.scatter [tilespmem:s25], [sflag:$0x8], $0x4000, $0x38;
	[tilespmem:$0x1A400] =	vst v63  }
.Ltmp0:
0x6e: {  	_ = 	snop;
	(pc) =	sbr.rel @p1 .LBB2_2-.Ltmp0, $4  }
0x6f: {  	s22 =	sadd.s32 $0x280, s22;
	_ =	swait.ge [sflag:s13], $0x4000  }
0x70: {  	p0 =	sne.s32 s21, $0x180;
	s31 =	sshll.u32 s0, $0x4;
	[sflag:s13] =	ssyncset.done $0x0  }
0x71: {  	s30 =	sadd.s32 s5, s29;
	s28 =	rddreg [dreg:$0x6];
	[sflag:s13] =	ssyncadd.s32 $0xFFFFC000  }
0x72: {  	[hbm4b:s30+s2] =	stream.linear.scatter [tilespmem:s28], [sflag:$0x9], $0x4000, $0x38;
	[tilespmem:$0x1A400] =	vst v63  }
0x73: {  	_ =	swait.ge [sflag:s14], $0x4000  }
0x74: {  	[sflag:s14] =	ssyncset.done $0x0  }
0x75: {  	s0 =	simm.s32 @p0 $0x6;
	s1 =	sadd.s32 s5, s31;
	[sflag:s14] =	ssyncadd.s32 $0xFFFFC000  }
0x76: {  	[hbm4b:s1+s2] =	stream.linear.scatter [tilespmem:s9], [sflag:$0xA], $0x4000, $0x38;
	[tilespmem:$0x1A400] =	vst v63  }
0x77: {  	_ =	swait.ge @p0 [sflag:s0], $0x4000  }
0x78: {  	s6 =	simm.s32 @p0 $0x6400;
	[sflag:s0] =	ssyncset.done @p0 $0x0  }
0x79: {  	s1 =	simm.s32 @p0 $0x80;
	[sflag:s0] =	ssyncadd.s32 @p0 $0xFFFFC000;
	s0 =	simm.s32 @p0 $0x7  }
0x7a: {  	[tilespmem:s6], [sflag:$0x1] =	stream.indirect.gather @p0 [hbm4b:s4+s1], $0x80, s22, s1, $0xb8;
	[tilespmem:$0x1A400] =	vst v63  }
0x7b: {  	_ =	swait.ge @p0 [sflag:s0], $0x4000  }
0x7c: {  	[sflag:s0] =	ssyncset.done @p0 $0x0  }
0x7d: {  	s6 =	sadd.s32 @p0 $0x80, s22;
	[sflag:s0] =	ssyncadd.s32 @p0 $0xFFFFC000;
	s0 =	simm.s32 @p0 $0xA400  }
0x7e: {  	[tilespmem:s0], [sflag:$0x2] =	stream.indirect.gather @p0 [hbm4b:s4+s1], $0x80, s6, s1, $0xb8;
	[tilespmem:$0x1A400] =	vst v63  }
0x7f: {  	s0 =	simm.s32 @p0 $0x8  }
0x80: {  	_ =	swait.ge @p0 [sflag:s0], $0x4000  }
0x81: {  	[sflag:s0] =	ssyncset.done @p0 $0x0  }
0x82: {  	s6 =	sadd.s32 @p0 $0x100, s22;
	[sflag:s0] =	ssyncadd.s32 @p0 $0xFFFFC000;
	s0 =	simm.s32 @p0 $0xE400  }
0x83: {  	[tilespmem:s0], [sflag:$0x3] =	stream.indirect.gather @p0 [hbm4b:s4+s1], $0x80, s6, s1, $0xb8;
	[tilespmem:$0x1A400] =	vst v63  }
0x84: {  	s0 =	simm.s32 @p0 $0x9  }
0x85: {  	_ =	swait.ge @p0 [sflag:s0], $0x4000  }
0x86: {  	[sflag:s0] =	ssyncset.done @p0 $0x0  }
0x87: {  	s6 =	sadd.s32 @p0 $0x180, s22;
	[sflag:s0] =	ssyncadd.s32 @p0 $0xFFFFC000;
	s0 =	simm.s32 @p0 $0x12400  }
0x88: {  	[tilespmem:s0], [sflag:$0x4] =	stream.indirect.gather @p0 [hbm4b:s4+s1], $0x80, s6, s1, $0xb8;
	[tilespmem:$0x1A400] =	vst v63  }
0x89: {  	s0 =	simm.s32 @p0 $0xA  }
0x8a: {  	_ =	swait.ge @p0 [sflag:s0], $0x4000  }
0x8b: {  	s1 =	simm.s32 @!p0 $0x80;
	[sflag:s0] =	ssyncset.done @p0 $0x0  }
0x8c: {  	s6 =	simm.s32 @!p0 $0x0;
	[sflag:s0] =	ssyncadd.s32 @p0 $0xFFFFC000;
	s0 =	simm.s32 @!p0 $0x6400  }
0x8d: {  	[tilespmem:s0], [sflag:$0x1] =	stream.indirect.gather @!p0 [hbm4b:s4+s1], $0x80, s6, s1, $0xb8;
	[tilespmem:$0x1A400] =	vst v63  }
0x8e: {  	s0 =	simm.s32 @!p0 $0xA400  }
0x8f: {  	[tilespmem:s0], [sflag:$0x2] =	stream.indirect.gather @!p0 [hbm4b:s4+s1], $0x80, s1, s1, $0xb8;
	[tilespmem:$0x1A400] =	vst v63  }
0x90: {  	s6 =	simm.s32 @!p0 $0xE400;
	s0 =	simm.s32 @!p0 $0x100  }
0x91: {  	[tilespmem:s6], [sflag:$0x3] =	stream.indirect.gather @!p0 [hbm4b:s4+s1], $0x80, s0, s1, $0xb8;
	[tilespmem:$0x1A400] =	vst v63  }
0x92: {  	s0 =	simm.s32 @!p0 $0x180;
	s6 =	simm.s32 @!p0 $0x12400  }
0x93: {  	[tilespmem:s6], [sflag:$0x4] =	stream.indirect.gather @!p0 [hbm4b:s4+s1], $0x80, s0, s1, $0xb8;
	[tilespmem:$0x1A400] =	vst v63  }
0x94: {  	s0 =	sadd.s32 @p0 $0xFFFFFE80, s21  }
0x95: {  	s0 =	simm.s32 @!p0 $0x0  }
0x96: {  	s22 =	rddreg [dreg:$0x2];
	s23 =	sadd.s32 $0x200, s0  }
0x97: {  	[tilespmem:s9], [sflag:$0x5] =	stream.indirect.gather [hbm4b:s4+s22], $0x80, s23, s22, $0xb8;
	[tilespmem:$0x1A400] =	vst v63  }
0x98: {  	s0 =	sadd.s32 s3, s0;
	_ =	swait.ge [sflag:s10], $0x4000  }
0x99: {  	s0 =	sshll.u32 s0, $0x4;
	[sflag:s10] =	ssyncset.done $0x0  }
0x9a: {  	s0 =	sadd.s32 s5, s0;
	s24 =	rddreg [dreg:$0x3];
	[sflag:s10] =	ssyncadd.s32 $0xFFFFC000  }
0x9b: {  	[hbm4b:s0+s2] =	stream.linear.scatter [tilespmem:s24], [sflag:$0x6], $0x4000, $0x38;
	[tilespmem:$0x1A400] =	vst v63  }
0x9c: {  	s0 =	sadd.s32 @p0 $0xFFFFFF00, s21  }
0x9d: {  	s0 =	simm.s32 @!p0 $0x80  }
0x9e: {  	_ =	swait.ge [sflag:s11], $0x4000;
	s0 =	sadd.s32 s3, s0  }
0x9f: {  	[sflag:s11] =	ssyncset.done $0x0;
	s0 =	sshll.u32 s0, $0x4  }
0xa0: {  	s25 =	rddreg [dreg:$0x4];
	[sflag:s11] =	ssyncadd.s32 $0xFFFFC000;
	s0 =	sadd.s32 s5, s0  }
0xa1: {  	[hbm4b:s0+s2] =	stream.linear.scatter [tilespmem:s25], [sflag:$0x7], $0x4000, $0x38;
	[tilespmem:$0x1A400] =	vst v63  }
0xa2: {  	s0 =	sadd.s32 @p0 $0xFFFFFF80, s21  }
0xa3: {  	s0 =	simm.s32 @!p0 $0x100  }
0xa4: {  	_ =	swait.ge [sflag:s12], $0x4000;
	s0 =	sadd.s32 s3, s0  }
0xa5: {  	s21 =	simm.s32 @!p0 $0x180;
	[sflag:s12] =	ssyncset.done $0x0;
	s0 =	sshll.u32 s0, $0x4  }
0xa6: {  	s26 =	rddreg [dreg:$0x5];
	[sflag:s12] =	ssyncadd.s32 $0xFFFFC000;
	s0 =	sadd.s32 s5, s0  }
0xa7: {  	[hbm4b:s0+s2] =	stream.linear.scatter [tilespmem:s26], [sflag:$0x8], $0x4000, $0x38;
	[tilespmem:$0x1A400] =	vst v63  }
0xa8: {  	s28 =	sadd.s32 s3, s21;
	_ =	swait.ge [sflag:s13], $0x4000  }
0xa9: {  	s0 =	sshll.u32 s28, $0x4;
	[sflag:s13] =	ssyncset.done $0x0  }
0xaa: {  	s0 =	sadd.s32 s5, s0;
	s29 =	rddreg [dreg:$0x6];
	[sflag:s13] =	ssyncadd.s32 $0xFFFFC000  }
0xab: {  	[hbm4b:s0+s2] =	stream.linear.scatter [tilespmem:s29], [sflag:$0x9], $0x4000, $0x38;
	[tilespmem:$0x1A400] =	vst v63  }
0xac: {  	s30 =	sadd.s32 s3, s23;
	_ =	swait.ge [sflag:s14], $0x4000  }
0xad: {  	s0 =	sshll.u32 s30, $0x4;
	[sflag:s14] =	ssyncset.done $0x0  }
0xae: {  	s0 =	sadd.s32 s5, s0;
	[sflag:s14] =	ssyncadd.s32 $0xFFFFC000  }
0xaf: {  	[hbm4b:s0+s2] =	stream.linear.scatter [tilespmem:s9], [sflag:$0xA], $0x4000, $0x38;
	[tilespmem:$0x1A400] =	vst v63  }
0xb0: {  	_ =	swait.ge [sflag:s15], $0x4000  }
0xb1: {  	[sflag:s15] =	ssyncset.done $0x0  }
0xb2: {  	[sflag:s15] =	ssyncadd.s32 $0xFFFFC000  }
0xb3: {  	_ =	swait.ge [sflag:s16], $0x4000  }
0xb4: {  	[sflag:s16] =	ssyncset.done $0x0  }
0xb5: {  	[sflag:s16] =	ssyncadd.s32 $0xFFFFC000  }
0xb6: {  	_ =	swait.ge [sflag:s17], $0x4000  }
0xb7: {  	[sflag:s17] =	ssyncset.done $0x0  }
0xb8: {  	[sflag:s17] =	ssyncadd.s32 $0xFFFFC000  }
0xb9: {  	_ =	swait.ge [sflag:s18], $0x4000  }
0xba: {  	[sflag:s18] =	ssyncset.done $0x0  }
0xbb: {  	[sflag:s18] =	ssyncadd.s32 $0xFFFFC000  }
0xbc: {  	_ =	swait.ge [sflag:s19], $0x4000  }
0xbd: {  	s20 =	sadd.s32 $0x1, s20;
	s31 =	rddreg [dreg:$0x8]  }
0xbe: {  	p0 =	sne.s32 s20, s31  }
.Ltmp1:
0xbf: {  	_ = 	snop;
	(pc) =	sbr.rel @p0 .LBB2_1-.Ltmp1, $3  }
0xc0: {  	_ =	sdelay $0x1  }
0xc1: {  	[sflag:s19] =	ssyncset.done $0x0  }
0xc2: {  	[sflag:s19] =	ssyncadd.s32 $0xFFFFC000  }
0xc3: {  	_ =	sfence.sel $0x180000  }
0xc4: {  	[bflag:$0x0] =	sbarrier.arrive $0xFFFF  }
0xc5: {  	_ =	strace $0x90000047  }
0xc6: {  	s0 =	stileid.u32;
	[bflag:$0x2] =	sbarrier.arrive $0xFFFF  }
0xc7: {  	p0 =	sne.s32 s0, $0x0;
	s0 =	rddreg [dreg:$0x1]  }
0xc8: {  	s0 =	sadd.s32 @!p0 $0x100000, s0  }
0xc9: {  	[sflag:s0] =	ssyncadd.tile.s32 @!p0 $0x1;
	_ =	shalt  }
.Lfunc_end2:
_tile_overlayer_lowered:
.L_overlay_start_2:
0xca: {  	(tag) =	ssettag $0x2  }
0xcb: {  	s0 =	rddreg [dreg:$0x0];
	s2 =	stileid.u32  }
0xcc: {  	s1 =	rddreg [dreg:$0x1];
	p0 =	sne.s32 s2, $0x0  }
0xcd: {  	s3 =	rddreg [dreg:$0x2];
	[bflag:$0x3] =	sbarrier.arrive $0xFFFF;
	s2 =	simm.s32 @!p0 $0x1C0B  }
0xce: {  	[timem:s3], [sflag:s2] =	dma.local @!p0 [hbm:s0], s1  }
0xcf: {  	s0 =	simm.s32 @!p0 $0xB  }
0xd0: {  	_ =	swait.ge @!p0 [sflag:s0], s1  }
0xd1: {  	s1 =	ssub.s32 @!p0 $0x0, s1;
	[sflag:s0] =	ssyncset.done @!p0 $0x0  }
0xd2: {  	[sflag:s0] =	ssyncadd.s32 @!p0 s1  }
0xd3: {  	[bflag:$0x3] =	sbarrier.arrive $0xFFFF  }
0xd4: {  	_ =	shalt  }

// kernel: sparse-core-data-format-call.cloned.1.call-start
scs
called_computation_lowered:
.L_overlay_start_0:
0x0: {  	s2 =	sld [smem:$0x3FD9]  }
0x1: {  	s3 =	sld [smem:$0x3FFE];
	_ =	sdelay $0x1  }
0x2: {  	s1 =	srdreg.scid  }
0x3: {  	s0 =	sand.u32 $0x1, s1  }
0x4: {  	s18 =	sshll.u32 s0, $0xA;
	s2 =	sadd.s32 s3, s2  }
0x5: {  	s2 =	sadd.s32 s2, s18  }
0x6: {  	[smem:$0x3FC6] =	sst s2  }
0x7: {  	_ = 	snop  }
0x8: {  	s2 =	sld [smem:$0x3FD0];
	(tm) =	ssettm $0x1  }
0x9: {  	s19 =	sld [smem:$0x3FFB];
	_ =	sdelay $0x3  }
0xa: {  	_ =	strace s19  }
0xb: {  	s3 =	sld [smem:$0x3FFC];
	_ =	sdelay $0x3  }
0xc: {  	_ =	strace s3  }
0xd: {  	s3 =	sld [smem:$0x3FFD];
	_ =	sdelay $0x3  }
0xe: {  	_ =	strace s3  }
0xf: {  	_ =	strace $0x8FFFFFFF  }
0x10: {  	s20 =	sld [smem:$0x3FDB];
	_ =	sdelay $0x1  }
0x11: {  	s4 =	simm.s32 $_scs_section_size  }
0x12: {  	s5 =	simm.s32 $_size__tile_overlayer_lowered;
	s6 =	simm.s32 $_tile_overlayer_lowered  }
0x13: {  	s23 =	simm.s32 $0x1BFF;
	s22 =	sshll.u32 s6, $0x1;
	s3 =	sadd.s32 s4, s20  }
0x14: {  	s7 =	simm.s32 $0x0;
	s21 =	sshll.u32 s5, $0x1;
	s5 =	sadd.s32 s22, s3  }
0x15: {  	[timem:s7], [sflag:s23] =	dma.local [hbm:s5], s21  }
0x16: {  	_ =	swait.ge [sflag:s23], s21  }
0x17: {  	s4 =	ssub.s32 $0x0, s21;
	[sflag:s23] =	ssyncset.done $0x0  }
0x18: {  	[sflag:s23] =	ssyncadd.s32 s4;
	_ =	sdelay $0x1  }
0x19: {  	s24 =	simm.s32 $0x1B8B  }
0x1a: {  	_ =	swait.ge [sflag:s24], $0x1  }
0x1b: {  	[sflag:s24] =	ssyncset.done $0x0  }
0x1c: {  	s26 =	simm.s32 $0x1B8E;
	s25 =	sld [smem:$0x3FFE];
	[sflag:s24] =	ssyncadd.s32 $0xFFFFFFFF  }
0x1d: {  	s27 =	simm.s32 $execute0_lowered;
	[smem:$0x3FD2] =	sst s26  }
0x1e: {  	s5 =	sshll.u32 s27, $0x1;
	_ =	strace $0x80000049;
	[dreg:$0x1] =	wrdreg $0xFFFFFFFF  }
0x1f: {  	s28 =	simm.s32 $_size_execute0_lowered;
	s3 =	sadd.s32 s3, s5;
	[dreg:$0x0] =	wrdreg $0x0  }
0x20: {  	s5 =	sshll.u32 s28, $0x1;
	[dreg:$0x2] =	wrdreg s3  }
0x21: {  	[dreg:$0x3] =	wrdreg s5  }
0x22: {  	[dreg:$0x4] =	wrdreg $0xC0  }
0x23: {  	_ =	task [dreg:s7], $0x5FFFF  }
0x24: {  	[dreg:$0x1] =	wrdreg $0xFFFFFFFF  }
0x25: {  	[dreg:$0x0] =	wrdreg $0x60  }
0x26: {  	[dreg:$0x2] =	wrdreg s25  }
0x27: {  	[dreg:$0x3] =	wrdreg s2  }
0x28: {  	[dreg:$0x4] =	wrdreg $0x9  }
0x29: {  	_ =	task.clear_ibuf [dreg:s7], $0x5FFFF;
	_ =	strace $0x90000049  }
0x2a: {  	s29 =	simm.s32 $0x9;
	_ =	strace $0x8000004B  }
0x2b: {  	_ =	swait.ge [sflag:s29], $0x1  }
0x2c: {  	[sflag:s29] =	ssyncadd.s32 $0xFFFFFFFF  }
0x2d: {  	_ =	strace $0x9000004B  }
0x2e: {  	_ =	sfence  }
0x2f: {  	s30 =	sld [smem:$0x0];
	_ =	sdelay $0x2  }
0x30: {  	s31 =	sshll.u32 s1, $0xD;
	s1 =	sshrl.u32 s1, $0x2  }
0x31: {  	s3 =	sand.u32 $0x4000, s31;
	s1 =	sadd.s32 s1, s30  }
0x32: {  	s0 =	sor.u32 s3, s0;
	s1 =	sshll.u32 s1, $0x11  }
0x33: {  	s0 =	sor.u32 s1, s0  }
0x34: {  	s0 =	sadd.s32 $0x8F2B, s0  }
0x35: {  	[sflag:s0] =	ssyncadd.remote.s32 $0x1  }
0x36: {  	_ =	sfence.sel $0xFFFF  }
0x37: {  	[dreg:$0x0] =	wrdreg $0xFFFFFFFF;
	(pc) =	sbr.abs _section_cstart, $3  }
0x38: {  	[dreg:$0x1] =	wrdreg $0xFFFFFFFF  }
0x39: {  	_ =	task.clear_ibuf [dreg:s7], $0x2FFFF;
	_ =	strace $0x9FFFFFFF  }
0x3a: {  	(tm) =	ssettm $0x7FFFFFFF  }
0x3b: {  	_ =	shalt  }
tec
execute0_lowered:
.L_overlay_start_1:
0x0: {  	(tag) =	ssettag $0x1  }
0x1: {  	s0 =	srdreg.scid  }
0x2: {  	s1 =	sshll.u32 s0, $0x4  }
0x3: {  	s6 =	rddreg [dreg:$0x0];
	s0 =	stileid.u32;
	s1 =	sand.u32 $0x10, s1  }
0x4: {  	s3 =	rddreg [dreg:$0x1];
	s1 =	sor.u32 s0, s1  }
0x5: {  	s5 =	simm.s32 $0x1;
	s31 =	simm.s32 $0x2;
	s2 =	sshll.u32 s1, $0x7  }
0x6: {  	s15 =	simm.s32 $0x0;
	s8 =	simm.s32 $0xC8000;
	s4 =	ssub.s32 $0x1000, s2  }
0x7: {  	s14 =	simm.s32 $0x0;
	s9 =	simm.s32 $0x0;
	s30 =	sand.u32 $0xF80, s4  }
0x8: {  	s10 =	simm.s32 $0x0;
	s11 =	simm.s32 $0x0;
	p0 =	sne.s32 s30, $0x0  }
.Ltmp0:
0x9: {  	s7 =	sshrl.u32 s4, $0xC;
	s5 =	simm.s32 @!p0 $0x0;
	(pc) =	sbr.rel .LBB1_1-.Ltmp0, $4  }
0xa: {  	s13 =	simm.s32 $0x0;
	s1 =	rddreg [dreg:$0x2];
	s5 =	sadd.s32 s5, s7  }
0xb: {  	_ =	strace $0x8000004A;
	s4 =	simm.s32 $0x1;
	s5 =	smul.u32 $0xC8, s5  }
0xc: {  	s6 =	sadd.s32 $0x1A0200, s6;
	s12 =	smov.u32 s2;
	[sflag:s4] =	ssyncpa.u1 $0x0  }
0xd: {  	[sflag:s31] =	ssyncpa.u1 $0x0;
	p0 =	por $0x0, $0x0;
	s7 =	sor.u32 $0x1, s5  }
.LBB1_4:
0xe: {  	s20 =	sshra.s32 s20, $0x2;
	s27 =	sshll.u32 s9, $0xC  }
0xf: {  	s21 =	sand.u32 $0x78, s10;
	s22 =	sshll.u32 s10, $0x3;
	s24 =	sshll.u32 s9, $0x7  }
0x10: {  	p1 =	sgt.s32 s9, $0xC7;
	s30 =	sshra.s32 s9, $0x1F;
	s25 =	sshra.s32 s10, $0x1F  }
0x11: {  	s19 =	sadd.s32 s20, s19;
	s20 =	sand.u32 $0xFFFF8000, s27;
	s23 =	sand.u32 $0xFFFFFC00, s22  }
0x12: {  	v5 =	vld [tilespmem:s17+$0xFFFFFFD0];
	[tilespmem:s18+$0x2040 ss:$0x81] =	vst.msk $0xffff, v4;
	s22 =	sand.u32 $0xC00, s22;
	s28 =	sand.u32 $0x380, s24;
	s31 =	sand.u32 s30, s9  }
0x13: {  	v58 =	vld [tilespmem:s17+$0xFFFFFFE0];
	[tilespmem:s18+$0x2850 ss:$0x81] =	vst.msk $0xffff, v3;
	s24 =	smov.u32 s10;
	s25 =	sand.u32 s25, s10;
	s20 =	sadd.s32 s23, s20  }
0x14: {  	v59 =	vld [tilespmem:s17+$0xFFFFFFF0];
	[tilespmem:s18+$0x3060 ss:$0x81] =	vst.msk $0xffff, v2;
	s21 =	sor.u32 s21, s22;
	s22 =	smov.u32 s9;
	s20 =	sshrl.u32 s20, $0xC  }
0x15: {  	v60 =	vld [tilespmem:s17+$0x0];
	[tilespmem:s18+$0x0 ss:$0x81] =	vst.msk $0xffff, v1;
	s22 =	simm.s32 @!p1 $0xC7;
	p1 =	sgt.s32 s10, $0xF80;
	s29 =	smulhi.u32 $0x147AE15, s20  }
0x16: {  	v61 =	vld [tilespmem:s17+$0x10];
	[tilespmem:s19+$0x3870 ss:$0x81] =	vst.msk $0xffff, v0;
	s21 =	sor.u32 s28, s21;
	s18 =	ssub.s32 s22, s31;
	s24 =	simm.s32 @!p1 $0xF80  }
0x17: {  	v62 =	vld [tilespmem:s17+$0x20];
	[tilespmem:s19+$0x810 ss:$0x81] =	vst.msk $0xffff, v5;
	s22 =	ssub.s32 s24, s25;
	s26 =	ssub.s32 $0xC8, s18;
	s23 =	smul.u32 $0xC8, s29  }
0x18: {  	v63 =	vld [tilespmem:s17+$0xFFFFFFC0];
	[tilespmem:s19+$0x1020 ss:$0x81] =	vst.msk $0xffff, v58;
	s27 =	sadd.s32 $0xFFFFFF39, s18;
	s18 =	smul.u32 $0x64, s26;
	s28 =	sadd.s32 $0xFFFFF080, s22  }
0x19: {  	[tilespmem:s19+$0x1830 ss:$0x81] =	vst.msk $0xffff, v59;
	p1 =	sgt.s32 s27, $0x0;
	s17 =	ssub.s32 $0x1000, s22;
	p2 =	sgt.s32 s28, $0x7F  }
0x1a: {  	s30 =	sand.u32 $0x7, s10;
	[tilespmem:s19+$0x2040 ss:$0x81] =	vst.msk $0xffff, v60;
	s18 =	simm.s32 @p1 $0x0;
	s17 =	simm.s32 @p2 $0x0  }
0x1b: {  	[tilespmem:s19+$0x2850 ss:$0x81] =	vst.msk $0xffff, v61;
	s29 =	sshrl.u32 s21, $0x3;
	s20 =	ssub.s32 s20, s23;
	s17 =	smul.u32 s17, s18  }
0x1c: {  	[tilespmem:s19+$0x3060 ss:$0x81] =	vst.msk $0xffff, v62;
	s21 =	sshll.u32 s30, $0x12;
	s20 =	sshll.u32 s20, $0x9;
	s18 =	sadd.s32 s3, s29  }
0x1d: {  	[tilespmem:s19+$0x0 ss:$0x81] =	vst.msk $0xffff, v63;
	s31 =	sor.u32 $0x80, s21;
	s18 =	sadd.s32 s20, s18;
	s17 =	sand.u32 $0x3FFFFFFC, s17  }
0x1e: {  	[hbm4b:s18+s31] =	stream.strided.scatter [tilespmem:s16], [sflag:$0x2], s17, s8, s31, $0x20;
	[tilespmem:$0x10100] =	vst v63  }
.LBB1_5:
0x1f: {  	p1 =	slt.u32 s13, $0x2  }
0x20: {  	s17 =	smov.u32 s15;
	p2 =	sgt.s32 @!p1 s15, $0xC7;
	s16 =	sshra.s32 @!p1 s15, $0x1F  }
0x21: {  	p3 =	sgt.s32 @!p1 s14, $0xF80;
	s18 =	sshra.s32 @!p1 s14, $0x1F;
	p2 =	por !p2, p1  }
0x22: {  	s15 =	sand.u32 @!p1 s16, s15;
	p3 =	por !p3, p1;
	s16 =	smov.u32 s14  }
0x23: {  	s14 =	sand.u32 @!p1 s18, s14;
	s17 =	simm.s32 @p2 $0xC7;
	s16 =	simm.s32 @p3 $0xF80  }
0x24: {  	s18 =	smov.u32 s12;
	s15 =	ssub.s32 @!p1 s17, s15;
	s14 =	ssub.s32 @!p1 s16, s14  }
0x25: {  	s16 =	sadd.s32 @!p1 $0xFFFFFF39, s15;
	s15 =	ssub.s32 @!p1 $0xC8, s15;
	s17 =	sadd.s32 @!p1 $0xFFFFF080, s14  }
0x26: {  	p2 =	sgt.s32 @!p1 s16, $0x0;
	s15 =	smul.u32 @!p1 $0x64, s15;
	p3 =	sgt.s32 @!p1 s17, $0x7F  }
0x27: {  	s14 =	ssub.s32 @!p1 $0x1000, s14;
	p2 =	por !p2, p1;
	p3 =	por !p3, p1  }
0x28: {  	s16 =	sadd.s32 $0x1, s11;
	s15 =	simm.s32 @!p2 $0x0;
	s14 =	simm.s32 @!p3 $0x0  }
0x29: {  	p2 =	sgt.s32 s16, $0xC7;
	s14 =	smul.u32 @!p1 s14, s15;
	s15 =	sadd.s32 $0x1000, s12  }
0x2a: {  	s18 =	smov.u32 @p2 s15  }
0x2b: {  	s16 =	simm.s32 @p2 $0x0;
	p2 =	sgt.s32 s18, $0xFFF  }
0x2c: {  	s18 =	smov.u32 @p2 s2;
	p2 =	sne.s32 s13, s7  }
.Ltmp1:
0x2d: {  	p0 =	por !p0, !p0;
	s17 =	simm.s32 @!p1 $0x2;
	(pc) =	sbr.rel @!p2 .LBB1_6-.Ltmp1, $4  }
0x2e: {  	s15 =	smov.u32 s9;
	s9 =	smov.u32 s11;
	s14 =	sand.u32 @!p1 $0x3FFFFFFC, s14  }
0x2f: {  	s11 =	smov.u32 s16;
	_ =	swait.ge @!p1 [sflag:s17], s14;
	s19 =	ssub.s32 @!p1 $0x0, s14  }
0x30: {  	s14 =	smov.u32 s10;
	s13 =	sadd.s32 $0x1, s13;
	[sflag:s17] =	ssyncset.done @!p1 $0x0  }
0x31: {  	s10 =	smov.u32 s12;
	s12 =	smov.u32 s18;
	[sflag:s17] =	ssyncadd.s32 @!p1 s19  }
.LBB1_1:
0x32: {  	p1 =	sge.u32 s13, s5  }
0x33: {  	s16 =	sand.u32 @!p1 $0x1FFFFFF, s11  }
0x34: {  	s17 =	smulhi.u32 @!p1 $0x147AE15, s16;
	_ =	sdelay $0x1  }
0x35: {  	s17 =	smul.u32 @!p1 $0xC8, s17  }
0x36: {  	s18 =	sxor.u32 @!p1 $0xFFFFFFFF, s13;
	s19 =	smul.u32 @!p1 $0xC80, s12  }
0x37: {  	s31 =	sadd.s32 $0xFFFFFFFF, s13;
	s18 =	sshll.u32 @!p1 s18, $0xE;
	s16 =	ssub.s32 @!p1 s16, s17  }
0x38: {  	s17 =	sand.u32 @!p1 $0x4000, s18;
	s18 =	sadd.s32 @!p1 s6, s19;
	s16 =	sshll.u32 @!p1 s16, $0x4  }
0x39: {  	s19 =	simm.s32 @!p1 $0x6400;
	s16 =	sadd.s32 @!p1 s16, s18;
	s18 =	simm.s32 @!p1 $0x80  }
0x3a: {  	[tilespmem:s17], [sflag:$0x1] =	stream.strided.gather @!p1 [hbm4b:s16+s18], $0x4000, s19, s18, $0x38;
	[tilespmem:$0x10100] =	vst v63  }
0x3b: {  	p1 =	sge.u32 s31, s5  }
.Ltmp2:
0x3c: {  	_ = 	snop;
	(pc) =	sbr.rel @p1 .LBB1_5-.Ltmp2, $1  }
0x3d: {  	_ =	sdelay $0x3  }
0x3e: {  	s16 =	simm.s32 $0x1  }
0x3f: {  	_ =	swait.ge [sflag:s4], $0x4000;
	s16 =	simm.s32 @!p0 $0x0  }
0x40: {  	[sflag:s4] =	ssyncset.done $0x0;
	s17 =	sshll.u32 s16, $0xE  }
0x41: {  	[sflag:s4] =	ssyncadd.s32 $0xFFFFC000;
	s17 =	sor.u32 $0x40, s17  }
0x42: {  	s16 =	smul.u32 $0x10200, s16;
	v0 =	vld [tilespmem:s17+$0x30]  }
0x43: {  	v1 =	vld [tilespmem:s17+$0xFFFFFFD0]  }
0x44: {  	s16 =	sshrl.u32 s16, $0x2;
	v5 =	vld [tilespmem:s17+$0xFFFFFFE0]  }
0x45: {  	v6 =	vld [tilespmem:s17+$0xFFFFFFF0];
	s19 =	sor.u32 $0x8000, s16  }
0x46: {  	s31 =	sand.u32 $0x1, s13;
	v4 =	vld [tilespmem:s17+$0x0];
	s18 =	sadd.s32 $0x0, s19  }
0x47: {  	v3 =	vld [tilespmem:s17+$0x10];
	s16 =	smul.u32 $0x10200, s31;
	[tilespmem:s18+$0x3870 ss:$0x81] =	vst.msk $0xffff, v0  }
0x48: {  	v2 =	vld [tilespmem:s17+$0x20];
	[tilespmem:s18+$0x810 ss:$0x81] =	vst.msk $0xffff, v1  }
0x49: {  	s16 =	sshrl.u32 s16, $0x2;
	v1 =	vld [tilespmem:s17+$0xFFFFFFC0];
	[tilespmem:s18+$0x1020 ss:$0x81] =	vst.msk $0xffff, v5;
	s17 =	sadd.s32 $0x80, s17  }
0x4a: {  	s20 =	simm.s32 $0x4;
	s21 =	simm.s32 $0x8;
	s16 =	sor.u32 $0x8000, s16;
	[tilespmem:s18+$0x1830 ss:$0x81] =	vst.msk $0xffff, v6;
	v0 =	vld [tilespmem:s17+$0x30]  }
.LBB1_3:
0x4b: {  	p1 =	sne.s32 s21, $0x1FC;
	v5 =	vld [tilespmem:s17+$0xFFFFFFD0];
	[tilespmem:s18+$0x2040 ss:$0x81] =	vst.msk $0xffff, v4  }
0x4c: {  	v6 =	vld [tilespmem:s17+$0xFFFFFFE0];
	[tilespmem:s18+$0x2850 ss:$0x81] =	vst.msk $0xffff, v3  }
0x4d: {  	s22 =	sshra.s32 s20, $0x2;
	s20 =	smov.u32 s21;
	v7 =	vld [tilespmem:s17+$0xFFFFFFF0];
	[tilespmem:s18+$0x3060 ss:$0x81] =	vst.msk $0xffff, v2  }
.Ltmp3:
0x4e: {  	v4 =	vld [tilespmem:s17+$0x0];
	[tilespmem:s18+$0x0 ss:$0x81] =	vst.msk $0xffff, v1;
	s18 =	sadd.s32 s22, s19;
	(pc) =	sbr.rel @p1 .LBB1_3-.Ltmp3, $4  }
0x4f: {  	v3 =	vld [tilespmem:s17+$0x10];
	[tilespmem:s18+$0x3870 ss:$0x81] =	vst.msk $0xffff, v0  }
0x50: {  	[tilespmem:s18+$0x810 ss:$0x81] =	vst.msk $0xffff, v5;
	v2 =	vld [tilespmem:s17+$0x20]  }
0x51: {  	v1 =	vld [tilespmem:s17+$0xFFFFFFC0];
	[tilespmem:s18+$0x1020 ss:$0x81] =	vst.msk $0xffff, v6;
	s17 =	sadd.s32 $0x80, s17  }
0x52: {  	s21 =	sadd.s32 $0x4, s21;
	v0 =	vld [tilespmem:s17+$0x30];
	[tilespmem:s18+$0x1830 ss:$0x81] =	vst.msk $0xffff, v7  }
.Ltmp4:
0x53: {  	_ = 	snop;
	(pc) =	sbr.rel .LBB1_4-.Ltmp4, $1  }
0x54: {  	_ =	sdelay $0x3  }
.LBB1_6:
0x55: {  	_ =	sfence.sel $0x180000  }
0x56: {  	s2 =	simm.s32 $0x1;
	[bflag:$0x0] =	sbarrier.arrive $0xFFFF  }
0x57: {  	s31 =	simm.s32 $0x2;
	[sflag:s2] =	ssyncpa.u1 $0x1  }
0x58: {  	[sflag:s31] =	ssyncpa.u1 $0x1  }
0x59: {  	p0 =	sne.s32 s0, $0x0;
	_ =	strace $0x9000004A  }
0x5a: {  	s0 =	sadd.s32 @!p0 $0x100000, s1;
	[bflag:$0x2] =	sbarrier.arrive $0xFFFF  }
0x5b: {  	[sflag:s0] =	ssyncadd.tile.s32 @!p0 $0x1;
	_ =	shalt  }
.Lfunc_end1:
_tile_overlayer_lowered:
.L_overlay_start_2:
0x5c: {  	(tag) =	ssettag $0x2  }
0x5d: {  	s0 =	rddreg [dreg:$0x0];
	s2 =	stileid.u32  }
0x5e: {  	s1 =	rddreg [dreg:$0x1];
	p0 =	sne.s32 s2, $0x0  }
0x5f: {  	s3 =	rddreg [dreg:$0x2];
	[bflag:$0x3] =	sbarrier.arrive $0xFFFF;
	s2 =	simm.s32 @!p0 $0x1C01  }
0x60: {  	[timem:s3], [sflag:s2] =	dma.local @!p0 [hbm:s0], s1  }
0x61: {  	s0 =	simm.s32 @!p0 $0x1  }
0x62: {  	_ =	swait.ge @!p0 [sflag:s0], s1  }
0x63: {  	s1 =	ssub.s32 @!p0 $0x0, s1;
	[sflag:s0] =	ssyncset.done @!p0 $0x0  }
0x64: {  	[sflag:s0] =	ssyncadd.s32 @!p0 s1  }
0x65: {  	[bflag:$0x3] =	sbarrier.arrive $0xFFFF  }
0x66: {  	_ =	shalt  }

</sc_bundles>
